<compile_context>
chip_gen: v7x
topology: tpu7x:2x2x1
jax: 0.10.2.dev20260603
libtpu: 0.0.44.dev20260713+nightly
codegen_flags: <defaults>
</compile_context>

<pallas_src>
import jax
import jax.numpy as jnp
from jax import lax
from jax.experimental import pallas as pl
from jax.experimental.pallas import tpu as pltpu
from jax.experimental.pallas import tpu_sc as plsc

TOPK = 100
IOU_THRES = 0.45
CONF_THRES = 0.25
NEG = -1e30
SELW = 128
TAU = 0.999
QS = 1264
NPAD = 4 * QS
CAPQ = 160
CAP = 4 * CAPQ


def _stage1_body(scores_ref, classes_ref, sco_ref, cls_ref):
    s = scores_ref[...]
    sco_ref[0] = jnp.max(s, axis=-1)
    c = classes_ref[...]
    cm = jnp.max(c, axis=-1, keepdims=True)
    ii = jax.lax.broadcasted_iota(jnp.int32, c.shape, 2).astype(jnp.float32)
    big = jnp.float32(c.shape[-1])
    cls_ref[0] = jnp.min(jnp.where(c == cm, ii, big), axis=-1)


def _sc_compact_body(sco_hbm, boxes_hbm, cls_hbm, cpl_hbm, cnt_hbm,
                     sco_v, y1_v, x1_v, y2_v, x2_v, cls_v,
                     ci_v, cy1_v, cx1_v, cy2_v, cx2_v, cs_v, ccl_v,
                     stage_v):
    c = lax.axis_index("c")
    s = lax.axis_index("s")
    batch = c * 4 + s // 4
    q = s % 4
    base = q * QS
    row = batch * NPAD + base
    pltpu.sync_copy(sco_hbm.at[pl.ds(row, QS)], sco_v)
    pltpu.sync_copy(boxes_hbm.at[pl.ds(0 * 8 * NPAD + row, QS)], y1_v)
    pltpu.sync_copy(boxes_hbm.at[pl.ds(1 * 8 * NPAD + row, QS)], x1_v)
    pltpu.sync_copy(boxes_hbm.at[pl.ds(2 * 8 * NPAD + row, QS)], y2_v)
    pltpu.sync_copy(boxes_hbm.at[pl.ds(3 * 8 * NPAD + row, QS)], x2_v)
    pltpu.sync_copy(cls_hbm.at[pl.ds(row, QS)], cls_v)

    iota16 = lax.iota(jnp.int32, 16)

    def chunk(i, carry):
        off, vc = carry
        sl = pl.ds(i * 16, 16)
        sv = sco_v[sl]
        cand = sv >= TAU
        vc = vc + jnp.sum((sv >= CONF_THRES).astype(jnp.int32))
        csum = plsc.cumsum(cand.astype(jnp.int32))
        pos = off + csum - 1
        cnt = jnp.max(csum)
        gidx = (base + i * 16 + iota16).astype(jnp.float32)
        plsc.store_scatter(ci_v, [pos], gidx, mask=cand)
        plsc.store_scatter(cy1_v, [pos], y1_v[sl], mask=cand)
        plsc.store_scatter(cx1_v, [pos], x1_v[sl], mask=cand)
        plsc.store_scatter(cy2_v, [pos], y2_v[sl], mask=cand)
        plsc.store_scatter(cx2_v, [pos], x2_v[sl], mask=cand)
        plsc.store_scatter(cs_v, [pos], sv, mask=cand)
        plsc.store_scatter(ccl_v, [pos], cls_v[sl], mask=cand)
        return off + cnt, vc

    off, vc = lax.fori_loop(0, QS // 16, chunk,
                            (jnp.int32(0), jnp.int32(0)))

    stage_v[...] = jnp.where(iota16 == 0, off,
                             jnp.where(iota16 == 1, vc, 0))
    pltpu.sync_copy(stage_v, cnt_hbm.at[pl.ds((batch * 4 + q) * 16, 16)])
    obase = batch * CAP + q * CAPQ
    capsl = pl.ds(0, CAPQ)
    pltpu.sync_copy(ci_v.at[capsl], cpl_hbm.at[pl.ds(0 * 8 * CAP + obase, CAPQ)])
    pltpu.sync_copy(cy1_v.at[capsl], cpl_hbm.at[pl.ds(1 * 8 * CAP + obase, CAPQ)])
    pltpu.sync_copy(cx1_v.at[capsl], cpl_hbm.at[pl.ds(2 * 8 * CAP + obase, CAPQ)])
    pltpu.sync_copy(cy2_v.at[capsl], cpl_hbm.at[pl.ds(3 * 8 * CAP + obase, CAPQ)])
    pltpu.sync_copy(cx2_v.at[capsl], cpl_hbm.at[pl.ds(4 * 8 * CAP + obase, CAPQ)])
    pltpu.sync_copy(cs_v.at[capsl], cpl_hbm.at[pl.ds(5 * 8 * CAP + obase, CAPQ)])
    pltpu.sync_copy(ccl_v.at[capsl], cpl_hbm.at[pl.ds(6 * 8 * CAP + obase, CAPQ)])


def _nms_loop(work0, read_planes):
    b = work0.shape[0]
    lane = jax.lax.broadcasted_iota(jnp.int32, (b, SELW), 1)
    zeros_sel = jnp.zeros((b, SELW), jnp.float32)

    def step(t, carry):
        work, sy1, sx1, sy2, sx2, ssc, scl, sid = carry
        y1, x1, y2, x2, cls, idxv = read_planes()
        areas = (y2 - y1) * (x2 - x1)
        m = jnp.max(work, axis=1, keepdims=True)
        valid = m > NEG / 2.0
        eq = work == m
        bidx = jnp.min(jnp.where(eq, idxv, jnp.float32(1e9)),
                       axis=1, keepdims=True)
        onehot = (idxv == bidx) & eq
        ninf = jnp.float32(-jnp.inf)
        by1 = jnp.max(jnp.where(onehot, y1, ninf), axis=1, keepdims=True)
        bx1 = jnp.max(jnp.where(onehot, x1, ninf), axis=1, keepdims=True)
        by2 = jnp.max(jnp.where(onehot, y2, ninf), axis=1, keepdims=True)
        bx2 = jnp.max(jnp.where(onehot, x2, ninf), axis=1, keepdims=True)
        bcl = jnp.max(jnp.where(onehot, cls, ninf), axis=1, keepdims=True)
        bar = (by2 - by1) * (bx2 - bx1)
        yy1 = jnp.maximum(by1, y1)
        xx1 = jnp.maximum(bx1, x1)
        yy2 = jnp.minimum(by2, y2)
        xx2 = jnp.minimum(bx2, x2)
        inter = jnp.maximum(yy2 - yy1, 0.0) * jnp.maximum(xx2 - xx1, 0.0)
        union = bar + areas - inter
        iou = inter / jnp.maximum(union, 1e-9)
        suppress = (iou > IOU_THRES) & valid
        work = jnp.where(suppress | onehot, NEG, work)
        col = lane == t
        sy1 = jnp.where(col, jnp.where(valid, by1, 0.0), sy1)
        sx1 = jnp.where(col, jnp.where(valid, bx1, 0.0), sx1)
        sy2 = jnp.where(col, jnp.where(valid, by2, 0.0), sy2)
        sx2 = jnp.where(col, jnp.where(valid, bx2, 0.0), sx2)
        ssc = jnp.where(col, jnp.where(valid, m, -1.0), ssc)
        scl = jnp.where(col, jnp.where(valid, bcl, -1.0), scl)
        sid = jnp.where(col, jnp.where(valid, bidx, -1.0), sid)
        return work, sy1, sx1, sy2, sx2, ssc, scl, sid

    carry = (work0,) + (zeros_sel,) * 6 + (zeros_sel - 1.0,)
    carry = jax.lax.fori_loop(0, TOPK, step, carry, unroll=False)
    return carry[1:]


def _stage3_body(cpl_ref, cnts_ref, boxes_t_ref, sco_ref, cls_ref,
                 selbox_ref, selsco_ref, selcls_ref, selidx_ref, vdet_ref):
    b = sco_ref.shape[0]
    cnts = cnts_ref[...]
    iota_c = jax.lax.broadcasted_iota(jnp.int32, (b, CAP), 1)
    csco = cpl_ref[5]
    cwork = jnp.where(csco >= CONF_THRES, csco, NEG)
    ktrue = jnp.zeros((b, 1), jnp.int32)
    vtot = jnp.zeros((b, 1), jnp.int32)
    overflow = jnp.zeros((b, 1), jnp.bool_)
    for qq in range(4):
        cq = cnts[:, 16 * qq:16 * qq + 1]
        vq = cnts[:, 16 * qq + 1:16 * qq + 2]
        inreg = (iota_c >= qq * CAPQ) & (iota_c < (qq + 1) * CAPQ)
        dead = inreg & ((iota_c - qq * CAPQ) >= cq)
        cwork = jnp.where(dead, NEG, cwork)
        ktrue = ktrue + jnp.minimum(cq, CAPQ)
        vtot = vtot + vq
        overflow = overflow | (cq > CAPQ)

    def read_compact():
        return (cpl_ref[1], cpl_ref[2], cpl_ref[3], cpl_ref[4],
                cpl_ref[6], cpl_ref[0])

    fast = _nms_loop(cwork, read_compact)
    vdet_fast = jnp.sum((fast[6] >= 0.0).astype(jnp.int32),
                        axis=1, keepdims=True)
    complete = vdet_fast >= TOPK
    exact = ktrue == vtot
    bad = overflow | (~complete & ~exact)
    any_bad = jnp.any(bad)

    def fallback(_):
        n = sco_ref.shape[1]
        work0 = jnp.where(sco_ref[...] >= CONF_THRES, sco_ref[...], NEG)

        def read_full():
            idxf = jax.lax.broadcasted_iota(jnp.int32, (b, n), 1)
            return (boxes_t_ref[0], boxes_t_ref[1], boxes_t_ref[2],
                    boxes_t_ref[3], cls_ref[...], idxf.astype(jnp.float32))

        return _nms_loop(work0, read_full)

    res = lax.cond(any_bad, fallback, lambda _: fast, None)
    sy1, sx1, sy2, sx2, ssc, scl, sid = res
    selbox_ref[0] = sy1
    selbox_ref[1] = sx1
    selbox_ref[2] = sy2
    selbox_ref[3] = sx2
    selsco_ref[...] = ssc
    selcls_ref[...] = scl
    selidx_ref[...] = sid
    vdet_ref[...] = jnp.sum((sid >= 0.0).astype(jnp.int32),
                            axis=1, keepdims=True)


def kernel(boxes, classes, scores, topk_all, iou_thres, conf_thres):
    b, n, c = scores.shape
    nchunk = 1000
    grid = n // nchunk
    sco, cls = pl.pallas_call(
        _stage1_body,
        grid=(grid,),
        in_specs=[
            pl.BlockSpec((b, nchunk, c), lambda i: (0, i, 0)),
            pl.BlockSpec((b, nchunk, c), lambda i: (0, i, 0)),
        ],
        out_specs=[
            pl.BlockSpec((1, b, nchunk), lambda i: (i, 0, 0)),
            pl.BlockSpec((1, b, nchunk), lambda i: (i, 0, 0)),
        ],
        out_shape=[
            jax.ShapeDtypeStruct((grid, b, nchunk), jnp.float32),
            jax.ShapeDtypeStruct((grid, b, nchunk), jnp.float32),
        ],
    )(scores, classes)
    pad = NPAD - n
    sco = jnp.pad(sco.transpose(1, 0, 2).reshape(b, n), ((0, 0), (0, pad)))
    cls = jnp.pad(cls.transpose(1, 0, 2).reshape(b, n), ((0, 0), (0, pad)))
    boxes_tp = jnp.pad(boxes.transpose(2, 0, 1), ((0, 0), (0, 0), (0, pad)))

    mesh = plsc.VectorSubcoreMesh(core_axis_name="c", subcore_axis_name="s",
                                  num_cores=2, num_subcores=16)
    f32 = jnp.float32
    cpl, cnts = pl.kernel(
        _sc_compact_body,
        out_type=[
            jax.ShapeDtypeStruct((7 * b * CAP,), f32),
            jax.ShapeDtypeStruct((b * 4 * 16,), jnp.int32),
        ],
        mesh=mesh,
        compiler_params=pltpu.CompilerParams(needs_layout_passes=False),
        scratch_types=(
            [pltpu.VMEM((QS,), f32)] * 6
            + [pltpu.VMEM((QS + 16,), f32)] * 7
            + [pltpu.VMEM((16,), jnp.int32)]
        ),
    )(sco.reshape(-1), boxes_tp.reshape(-1), cls.reshape(-1))
    cpl = cpl.reshape(7, b, CAP)

    selbox, selsco, selcls, selidx, vdet = pl.pallas_call(
        _stage3_body,
        out_shape=[
            jax.ShapeDtypeStruct((4, b, SELW), jnp.float32),
            jax.ShapeDtypeStruct((b, SELW), jnp.float32),
            jax.ShapeDtypeStruct((b, SELW), jnp.float32),
            jax.ShapeDtypeStruct((b, SELW), jnp.float32),
            jax.ShapeDtypeStruct((b, 1), jnp.int32),
        ],
    )(cpl, cnts.reshape(b, 64), boxes_tp, sco, cls)

    padded_boxes = selbox[:, :, :TOPK].transpose(1, 2, 0)
    padded_scores = selsco[:, :TOPK]
    padded_classes = selcls[:, :TOPK]
    valid_detections = vdet[:, 0]
    return padded_boxes, padded_scores, padded_classes, valid_detections

# --- scband reference (transcript-rebuilt; emitter-appended) ---
"""Pipeline reference for scband-agnostic-nms-14001593384971 (READ-ONLY COPY).

The authoritative reference and input builder live on the scoring server;
editing this copy changes nothing except your own understanding.
"""

import jax, jax.numpy as jnp
import numpy as np

TOPK_ALL = 100
IOU_THRES = 0.45
CONF_THRES = 0.25
NEG = -1e30


def setup_inputs(seed: int = 0):
    key = jax.random.key(seed)
    k1, k2, k3, k4 = jax.random.split(key, 4)
    B, N, C = 8, 5000, 80
    # boxes: fill=rand -> valid [y1, x1, y2, x2] boxes built from uniform randoms
    centers = jax.random.uniform(k1, (B, N, 2), dtype=jnp.float32) * 512.0
    sizes = jax.random.uniform(k2, (B, N, 2), dtype=jnp.float32) * 64.0 + 1.0
    boxes = jnp.concatenate([centers - sizes / 2.0, centers + sizes / 2.0], axis=-1)
    classes = jax.random.normal(k3, (B, N, C), dtype=jnp.float32)
    scores = jax.random.uniform(k4, (B, N, C), dtype=jnp.float32)
    return {"boxes": boxes, "classes": classes, "scores": scores,
            "topk_all": 100, "iou_thres": 0, "conf_thres": 0}


def _nms_single(boxes, classes, scores):
    # Faithful port of AgnosticNMS._nms (map_fn calls it with its defaults:
    # topk_all=100, iou_thres=0.45, conf_thres=0.25).
    class_inds = jnp.argmax(classes, axis=-1).astype(jnp.float32)
    scores_inp = jnp.max(scores, axis=-1)
    work0 = jnp.where(scores_inp >= CONF_THRES, scores_inp, NEG)
    areas = (boxes[:, 2] - boxes[:, 0]) * (boxes[:, 3] - boxes[:, 1])

    def step(work, _):
        best = jnp.argmax(work)
        valid = work[best] > NEG / 2.0
        b = boxes[best]
        yy1 = jnp.maximum(b[0], boxes[:, 0])
        xx1 = jnp.maximum(b[1], boxes[:, 1])
        yy2 = jnp.minimum(b[2], boxes[:, 2])
        xx2 = jnp.minimum(b[3], boxes[:, 3])
        inter = jnp.maximum(yy2 - yy1, 0.0) * jnp.maximum(xx2 - xx1, 0.0)
        union = areas[best] + areas - inter
        iou = inter / jnp.maximum(union, 1e-9)
        suppress = (iou > IOU_THRES) & valid
        new_work = jnp.where(suppress, NEG, work)
        new_work = new_work.at[best].set(NEG)
        sel = jnp.where(valid, best.astype(jnp.int32), jnp.int32(-1))
        return new_work, sel

    _, sel = jax.lax.scan(step, work0, None, length=TOPK_ALL)
    valid_mask = sel >= 0
    safe = jnp.maximum(sel, 0)
    padded_boxes = jnp.where(valid_mask[:, None], jnp.take(boxes, safe, axis=0), 0.0)
    padded_scores = jnp.where(valid_mask, jnp.take(scores_inp, safe, axis=0), -1.0)
    padded_classes = jnp.where(valid_mask, jnp.take(class_inds, safe, axis=0), -1.0)
    valid_detections = jnp.sum(valid_mask).astype(jnp.int32)
    return padded_boxes, padded_scores, padded_classes, valid_detections


def reference(boxes, classes, scores, topk_all=100, iou_thres=0, conf_thres=0):
    # The original call() ignores the scalar args: tf.map_fn invokes _nms with
    # only x, so the static defaults (100, 0.45, 0.25) are what actually run.
    return jax.vmap(_nms_single)(boxes, classes, scores)

if __name__ == "__main__":
    import jax
    _d = setup_inputs()
    print(jax.jit(kernel)(*tuple(_d.values())))

</pallas_src>

<mosaic_0001>
#map = affine_map<(d0, d1) -> (0)>
module attributes {stable_mosaic.version = 14 : i64} {
  func.func @_sc_compact_body(%arg0: i32, %arg1: i32, %arg2: memref<40448xf32, #tpu.memory_space<hbm>>, %arg3: memref<161792xf32, #tpu.memory_space<hbm>>, %arg4: memref<40448xf32, #tpu.memory_space<hbm>>, %arg5: memref<35840xf32, #tpu.memory_space<hbm>>, %arg6: memref<512xi32, #tpu.memory_space<hbm>>, %arg7: memref<1264xf32, #tpu.memory_space<vmem>>, %arg8: memref<1264xf32, #tpu.memory_space<vmem>>, %arg9: memref<1264xf32, #tpu.memory_space<vmem>>, %arg10: memref<1264xf32, #tpu.memory_space<vmem>>, %arg11: memref<1264xf32, #tpu.memory_space<vmem>>, %arg12: memref<1264xf32, #tpu.memory_space<vmem>>, %arg13: memref<1280xf32, #tpu.memory_space<vmem>>, %arg14: memref<1280xf32, #tpu.memory_space<vmem>>, %arg15: memref<1280xf32, #tpu.memory_space<vmem>>, %arg16: memref<1280xf32, #tpu.memory_space<vmem>>, %arg17: memref<1280xf32, #tpu.memory_space<vmem>>, %arg18: memref<1280xf32, #tpu.memory_space<vmem>>, %arg19: memref<1280xf32, #tpu.memory_space<vmem>>, %arg20: memref<16xi32, #tpu.memory_space<vmem>>) attributes {dimension_semantics = [#tpu.dimension_semantics<core_parallel>, #tpu.dimension_semantics<subcore_parallel>], iteration_bounds = array<i64: 2, 16>, scalar_prefetch = 0 : i64, scratch_operands = 14 : i64, tpu.core_type = #tpu.core_type<sc_vector_subcore>, window_params = [{transform_indices = #map}, {transform_indices = #map}, {transform_indices = #map}, {transform_indices = #map}, {transform_indices = #map}]} {
    %mul3A = arith.constant 4 : i32
    %mul3A_0 = arith.muli %arg0, %mul3A : i32
    %jit3A = arith.constant 4 : i32
    %div3A = arith.divsi %arg1, %jit3A : i32
    %sign3A = arith.constant 0 : i32
    %sign3A_1 = arith.cmpi sgt, %arg1, %sign3A : i32
    %sign3A_2 = arith.extui %sign3A_1 : i1 to i32
    %sign3A_3 = arith.constant 0 : i32
    %sign3A_4 = arith.cmpi slt, %arg1, %sign3A_3 : i32
    %sign3A_5 = arith.extui %sign3A_4 : i1 to i32
    %sign3A_6 = arith.subi %sign3A_2, %sign3A_5 : i32
    %sign3A_7 = arith.constant 0 : i32
    %sign3A_8 = arith.cmpi sgt, %jit3A, %sign3A_7 : i32
    %sign3A_9 = arith.extui %sign3A_8 : i1 to i32
    %sign3A_10 = arith.constant 0 : i32
    %sign3A_11 = arith.cmpi slt, %jit3A, %sign3A_10 : i32
    %sign3A_12 = arith.extui %sign3A_11 : i1 to i32
    %sign3A_13 = arith.subi %sign3A_9, %sign3A_12 : i32
    %ne3A = arith.cmpi ne, %sign3A_6, %sign3A_13 : i32
    %rem3A = arith.remsi %arg1, %jit3A : i32
    %ne3A_14 = arith.constant 0 : i32
    %ne3A_15 = arith.cmpi ne, %rem3A, %ne3A_14 : i32
    %and3A = arith.andi %ne3A, %ne3A_15 : i1
    %sub3A = arith.constant 1 : i32
    %sub3A_16 = arith.subi %div3A, %sub3A : i32
    %select_n3A = arith.select %and3A, %sub3A_16, %div3A : i32
    %add3A = arith.addi %mul3A_0, %select_n3A : i32
    %jit3A_17 = arith.constant 4 : i32
    %eq3A = arith.constant 0 : i32
    %eq3A_18 = arith.cmpi eq, %jit3A_17, %eq3A : i32
    %jit3A_19 = arith.constant 1 : i32
    %select_n3A_20 = arith.select %eq3A_18, %jit3A_19, %jit3A_17 : i32
    %rem3A_21 = arith.remsi %arg1, %select_n3A_20 : i32
    %ne3A_22 = arith.constant 0 : i32
    %ne3A_23 = arith.cmpi ne, %rem3A_21, %ne3A_22 : i32
    %lt3A = arith.constant 0 : i32
    %lt3A_24 = arith.cmpi slt, %rem3A_21, %lt3A : i32
    %lt3A_25 = arith.constant 0 : i32
    %lt3A_26 = arith.cmpi slt, %select_n3A_20, %lt3A_25 : i32
    %ne3A_27 = arith.xori %lt3A_24, %lt3A_26 : i1
    %and3A_28 = arith.andi %ne3A_27, %ne3A_23 : i1
    %add3A_29 = arith.addi %rem3A_21, %select_n3A_20 : i32
    %select_n3A_30 = arith.select %and3A_28, %add3A_29, %rem3A_21 : i32
    %mul3A_31 = arith.constant 1264 : i32
    %mul3A_32 = arith.muli %select_n3A_30, %mul3A_31 : i32
    %mul3A_33 = arith.constant 5056 : i32
    %mul3A_34 = arith.muli %add3A, %mul3A_33 : i32
    %add3A_35 = arith.addi %mul3A_34, %mul3A_32 : i32
    "tpu.region"() ({
      %run_scoped3A = tpu.sem_alloc : memref<!tpu.dma_semaphore, #tpu.memory_space<semaphore_mem>>
      %dma_start3A = tpu.memref_slice %arg2[%add3A_35] : memref<40448xf32, #tpu.memory_space<hbm>> -> memref<1264xf32, #tpu.memory_space<hbm>>
      %dma_start3A_87 = tpu.memref_slice %arg2[%add3A_35] : memref<40448xf32, #tpu.memory_space<hbm>> -> memref<1264xf32, #tpu.memory_space<hbm>>
      tpu.enqueue_dma source(%dma_start3A_87 : memref<1264xf32, #tpu.memory_space<hbm>>) target(%arg7 : memref<1264xf32, #tpu.memory_space<vmem>>) target_semaphore(%run_scoped3A : memref<!tpu.dma_semaphore, #tpu.memory_space<semaphore_mem>>)
      %dma_wait3A = tpu.memref_slice %arg2[%add3A_35] : memref<40448xf32, #tpu.memory_space<hbm>> -> memref<1264xf32, #tpu.memory_space<hbm>>
      %dma_wait3A_88 = tpu.memref_slice %arg2[%add3A_35] : memref<40448xf32, #tpu.memory_space<hbm>> -> memref<1264xf32, #tpu.memory_space<hbm>>
      tpu.wait_dma2 semaphore(%run_scoped3A : memref<!tpu.dma_semaphore, #tpu.memory_space<semaphore_mem>>) src(%dma_wait3A_88 : memref<1264xf32, #tpu.memory_space<hbm>>) dst(%arg7 : memref<1264xf32, #tpu.memory_space<vmem>>)
      tpu.yield
    }) : () -> ()
    %add3A_36 = arith.constant 0 : i32
    %add3A_37 = arith.addi %add3A_36, %add3A_35 : i32
    "tpu.region"() ({
      %run_scoped3A = tpu.sem_alloc : memref<!tpu.dma_semaphore, #tpu.memory_space<semaphore_mem>>
      %dma_start3A = tpu.memref_slice %arg3[%add3A_37] : memref<161792xf32, #tpu.memory_space<hbm>> -> memref<1264xf32, #tpu.memory_space<hbm>>
      %dma_start3A_87 = tpu.memref_slice %arg3[%add3A_37] : memref<161792xf32, #tpu.memory_space<hbm>> -> memref<1264xf32, #tpu.memory_space<hbm>>
      tpu.enqueue_dma source(%dma_start3A_87 : memref<1264xf32, #tpu.memory_space<hbm>>) target(%arg8 : memref<1264xf32, #tpu.memory_space<vmem>>) target_semaphore(%run_scoped3A : memref<!tpu.dma_semaphore, #tpu.memory_space<semaphore_mem>>)
      %dma_wait3A = tpu.memref_slice %arg3[%add3A_37] : memref<161792xf32, #tpu.memory_space<hbm>> -> memref<1264xf32, #tpu.memory_space<hbm>>
      %dma_wait3A_88 = tpu.memref_slice %arg3[%add3A_37] : memref<161792xf32, #tpu.memory_space<hbm>> -> memref<1264xf32, #tpu.memory_space<hbm>>
      tpu.wait_dma2 semaphore(%run_scoped3A : memref<!tpu.dma_semaphore, #tpu.memory_space<semaphore_mem>>) src(%dma_wait3A_88 : memref<1264xf32, #tpu.memory_space<hbm>>) dst(%arg8 : memref<1264xf32, #tpu.memory_space<vmem>>)
      tpu.yield
    }) : () -> ()
    %add3A_38 = arith.constant 40448 : i32
    %add3A_39 = arith.addi %add3A_38, %add3A_35 : i32
    "tpu.region"() ({
      %run_scoped3A = tpu.sem_alloc : memref<!tpu.dma_semaphore, #tpu.memory_space<semaphore_mem>>
      %dma_start3A = tpu.memref_slice %arg3[%add3A_39] : memref<161792xf32, #tpu.memory_space<hbm>> -> memref<1264xf32, #tpu.memory_space<hbm>>
      %dma_start3A_87 = tpu.memref_slice %arg3[%add3A_39] : memref<161792xf32, #tpu.memory_space<hbm>> -> memref<1264xf32, #tpu.memory_space<hbm>>
      tpu.enqueue_dma source(%dma_start3A_87 : memref<1264xf32, #tpu.memory_space<hbm>>) target(%arg9 : memref<1264xf32, #tpu.memory_space<vmem>>) target_semaphore(%run_scoped3A : memref<!tpu.dma_semaphore, #tpu.memory_space<semaphore_mem>>)
      %dma_wait3A = tpu.memref_slice %arg3[%add3A_39] : memref<161792xf32, #tpu.memory_space<hbm>> -> memref<1264xf32, #tpu.memory_space<hbm>>
      %dma_wait3A_88 = tpu.memref_slice %arg3[%add3A_39] : memref<161792xf32, #tpu.memory_space<hbm>> -> memref<1264xf32, #tpu.memory_space<hbm>>
      tpu.wait_dma2 semaphore(%run_scoped3A : memref<!tpu.dma_semaphore, #tpu.memory_space<semaphore_mem>>) src(%dma_wait3A_88 : memref<1264xf32, #tpu.memory_space<hbm>>) dst(%arg9 : memref<1264xf32, #tpu.memory_space<vmem>>)
      tpu.yield
    }) : () -> ()
    %add3A_40 = arith.constant 80896 : i32
    %add3A_41 = arith.addi %add3A_40, %add3A_35 : i32
    "tpu.region"() ({
      %run_scoped3A = tpu.sem_alloc : memref<!tpu.dma_semaphore, #tpu.memory_space<semaphore_mem>>
      %dma_start3A = tpu.memref_slice %arg3[%add3A_41] : memref<161792xf32, #tpu.memory_space<hbm>> -> memref<1264xf32, #tpu.memory_space<hbm>>
      %dma_start3A_87 = tpu.memref_slice %arg3[%add3A_41] : memref<161792xf32, #tpu.memory_space<hbm>> -> memref<1264xf32, #tpu.memory_space<hbm>>
      tpu.enqueue_dma source(%dma_start3A_87 : memref<1264xf32, #tpu.memory_space<hbm>>) target(%arg10 : memref<1264xf32, #tpu.memory_space<vmem>>) target_semaphore(%run_scoped3A : memref<!tpu.dma_semaphore, #tpu.memory_space<semaphore_mem>>)
      %dma_wait3A = tpu.memref_slice %arg3[%add3A_41] : memref<161792xf32, #tpu.memory_space<hbm>> -> memref<1264xf32, #tpu.memory_space<hbm>>
      %dma_wait3A_88 = tpu.memref_slice %arg3[%add3A_41] : memref<161792xf32, #tpu.memory_space<hbm>> -> memref<1264xf32, #tpu.memory_space<hbm>>
      tpu.wait_dma2 semaphore(%run_scoped3A : memref<!tpu.dma_semaphore, #tpu.memory_space<semaphore_mem>>) src(%dma_wait3A_88 : memref<1264xf32, #tpu.memory_space<hbm>>) dst(%arg10 : memref<1264xf32, #tpu.memory_space<vmem>>)
      tpu.yield
    }) : () -> ()
    %add3A_42 = arith.constant 121344 : i32
    %add3A_43 = arith.addi %add3A_42, %add3A_35 : i32
    "tpu.region"() ({
      %run_scoped3A = tpu.sem_alloc : memref<!tpu.dma_semaphore, #tpu.memory_space<semaphore_mem>>
      %dma_start3A = tpu.memref_slice %arg3[%add3A_43] : memref<161792xf32, #tpu.memory_space<hbm>> -> memref<1264xf32, #tpu.memory_space<hbm>>
      %dma_start3A_87 = tpu.memref_slice %arg3[%add3A_43] : memref<161792xf32, #tpu.memory_space<hbm>> -> memref<1264xf32, #tpu.memory_space<hbm>>
      tpu.enqueue_dma source(%dma_start3A_87 : memref<1264xf32, #tpu.memory_space<hbm>>) target(%arg11 : memref<1264xf32, #tpu.memory_space<vmem>>) target_semaphore(%run_scoped3A : memref<!tpu.dma_semaphore, #tpu.memory_space<semaphore_mem>>)
      %dma_wait3A = tpu.memref_slice %arg3[%add3A_43] : memref<161792xf32, #tpu.memory_space<hbm>> -> memref<1264xf32, #tpu.memory_space<hbm>>
      %dma_wait3A_88 = tpu.memref_slice %arg3[%add3A_43] : memref<161792xf32, #tpu.memory_space<hbm>> -> memref<1264xf32, #tpu.memory_space<hbm>>
      tpu.wait_dma2 semaphore(%run_scoped3A : memref<!tpu.dma_semaphore, #tpu.memory_space<semaphore_mem>>) src(%dma_wait3A_88 : memref<1264xf32, #tpu.memory_space<hbm>>) dst(%arg11 : memref<1264xf32, #tpu.memory_space<vmem>>)
      tpu.yield
    }) : () -> ()
    "tpu.region"() ({
      %run_scoped3A = tpu.sem_alloc : memref<!tpu.dma_semaphore, #tpu.memory_space<semaphore_mem>>
      %dma_start3A = tpu.memref_slice %arg4[%add3A_35] : memref<40448xf32, #tpu.memory_space<hbm>> -> memref<1264xf32, #tpu.memory_space<hbm>>
      %dma_start3A_87 = tpu.memref_slice %arg4[%add3A_35] : memref<40448xf32, #tpu.memory_space<hbm>> -> memref<1264xf32, #tpu.memory_space<hbm>>
      tpu.enqueue_dma source(%dma_start3A_87 : memref<1264xf32, #tpu.memory_space<hbm>>) target(%arg12 : memref<1264xf32, #tpu.memory_space<vmem>>) target_semaphore(%run_scoped3A : memref<!tpu.dma_semaphore, #tpu.memory_space<semaphore_mem>>)
      %dma_wait3A = tpu.memref_slice %arg4[%add3A_35] : memref<40448xf32, #tpu.memory_space<hbm>> -> memref<1264xf32, #tpu.memory_space<hbm>>
      %dma_wait3A_88 = tpu.memref_slice %arg4[%add3A_35] : memref<40448xf32, #tpu.memory_space<hbm>> -> memref<1264xf32, #tpu.memory_space<hbm>>
      tpu.wait_dma2 semaphore(%run_scoped3A : memref<!tpu.dma_semaphore, #tpu.memory_space<semaphore_mem>>) src(%dma_wait3A_88 : memref<1264xf32, #tpu.memory_space<hbm>>) dst(%arg12 : memref<1264xf32, #tpu.memory_space<vmem>>)
      tpu.yield
    }) : () -> ()
    %iota3A = tpu.iota {dimensions = array<i32: 0>} : vector<16xi32>
    %scan3A = arith.constant 0 : i32
    %scan3A_44 = arith.constant 0 : i32
    %scan3A_45 = arith.constant 0 : i32
    %scan3A_46 = arith.constant 79 : i32
    %scan3A_47 = arith.addi %scan3A_45, %scan3A_46 : i32
    %scan3A_48 = arith.constant 1 : i32
    %scan3A_49:2 = scf.for %scan3A_87 = %scan3A_45 to %scan3A_47 step %scan3A_48 iter_args(%scan3A_88 = %scan3A, %scan3A_89 = %scan3A_44) -> (i32, i32)  : i32 {
      %mul3A_90 = arith.constant 16 : i32
      %mul3A_91 = arith.muli %scan3A_87, %mul3A_90 : i32
      %get3A = arith.index_cast %mul3A_91 : i32 to index
      %get3A_92 = tpu.vector_load %arg7[%get3A] {strides = array<i32>} : memref<1264xf32, #tpu.memory_space<vmem>>, vector<16xf32>,
      %ge3A = arith.constant 9.990000e-01 : f32
      %ge3A_93 = vector.broadcast %ge3A : f32 to vector<16xf32>
      %ge3A_94 = arith.cmpf oge, %get3A_92, %ge3A_93 : vector<16xf32>
      %ge3A_95 = arith.constant 2.500000e-01 : f32
      %ge3A_96 = vector.broadcast %ge3A_95 : f32 to vector<16xf32>
      %ge3A_97 = arith.cmpf oge, %get3A_92, %ge3A_96 : vector<16xf32>
      %convert_element_type3A = arith.extui %ge3A_97 : vector<16xi1> to vector<16xi32>
      %reduce_sum3A = arith.constant true
      %reduce_sum3A_98 = vector.broadcast %reduce_sum3A : i1 to vector<16xi1>
      %reduce_sum3A_99 = tpu.scan <sum>, %convert_element_type3A masked %reduce_sum3A_98 : vector<16xi32>, vector<16xi1> -> vector<16xi32>
      %reduce_sum3A_100 = vector.extract %reduce_sum3A_99[15] : i32 from vector<16xi32>
      %add3A_101 = arith.addi %scan3A_89, %reduce_sum3A_100 : i32
      %convert_element_type3A_102 = arith.extui %ge3A_94 : vector<16xi1> to vector<16xi32>
      %broadcast_in_dim3A_103 = arith.constant true
      %broadcast_in_dim3A_104 = vector.broadcast %broadcast_in_dim3A_103 : i1 to vector<16xi1>
      %masked_cumsum3A = tpu.scan <sum>, %convert_element_type3A_102 masked %broadcast_in_dim3A_104 : vector<16xi32>, vector<16xi1> -> vector<16xi32>
      %add3A_105 = vector.broadcast %scan3A_88 : i32 to vector<16xi32>
      %add3A_106 = arith.addi %add3A_105, %masked_cumsum3A : vector<16xi32>
      %sub3A_107 = arith.constant 1 : i32
      %sub3A_108 = vector.broadcast %sub3A_107 : i32 to vector<16xi32>
      %sub3A_109 = arith.subi %add3A_106, %sub3A_108 : vector<16xi32>
      %reduce_max3A = arith.constant true
      %reduce_max3A_110 = vector.broadcast %reduce_max3A : i1 to vector<16xi1>
      %reduce_max3A_111 = arith.constant -2147483648 : i32
      %reduce_max3A_112 = vector.broadcast %reduce_max3A_111 : i32 to vector<16xi32>
      %reduce_max3A_113 = arith.xori %masked_cumsum3A, %reduce_max3A_112 : vector<16xi32>
      %reduce_max3A_114 = tpu.scan <max>, %reduce_max3A_113 masked %reduce_max3A_110 : vector<16xi32>, vector<16xi1> -> vector<16xi32>
      %reduce_max3A_115 = arith.xori %reduce_max3A_114, %reduce_max3A_112 : vector<16xi32>
      %reduce_max3A_116 = vector.extract %reduce_max3A_115[15] : i32 from vector<16xi32>
      %mul3A_117 = arith.constant 16 : i32
      %mul3A_118 = arith.muli %scan3A_87, %mul3A_117 : i32
      %add3A_119 = arith.addi %mul3A_32, %mul3A_118 : i32
      %add3A_120 = vector.broadcast %add3A_119 : i32 to vector<16xi32>
      %add3A_121 = arith.addi %add3A_120, %iota3A : vector<16xi32>
      %convert_element_type3A_122 = arith.sitofp %add3A_121 : vector<16xi32> to vector<16xf32>
      tpu.vector_store_idx %arg13[%sub3A_109], %convert_element_type3A_122 masked %ge3A_94 : memref<1280xf32, #tpu.memory_space<vmem>>[vector<16xi32>], vector<16xf32>, vector<16xi1>
      %get3A_123 = arith.index_cast %mul3A_91 : i32 to index
      %get3A_124 = tpu.vector_load %arg8[%get3A_123] {strides = array<i32>} : memref<1264xf32, #tpu.memory_space<vmem>>, vector<16xf32>,
      tpu.vector_store_idx %arg14[%sub3A_109], %get3A_124 masked %ge3A_94 : memref<1280xf32, #tpu.memory_space<vmem>>[vector<16xi32>], vector<16xf32>, vector<16xi1>
      %get3A_125 = arith.index_cast %mul3A_91 : i32 to index
      %get3A_126 = tpu.vector_load %arg9[%get3A_125] {strides = array<i32>} : memref<1264xf32, #tpu.memory_space<vmem>>, vector<16xf32>,
      tpu.vector_store_idx %arg15[%sub3A_109], %get3A_126 masked %ge3A_94 : memref<1280xf32, #tpu.memory_space<vmem>>[vector<16xi32>], vector<16xf32>, vector<16xi1>
      %get3A_127 = arith.index_cast %mul3A_91 : i32 to index
      %get3A_128 = tpu.vector_load %arg10[%get3A_127] {strides = array<i32>} : memref<1264xf32, #tpu.memory_space<vmem>>, vector<16xf32>,
      tpu.vector_store_idx %arg16[%sub3A_109], %get3A_128 masked %ge3A_94 : memref<1280xf32, #tpu.memory_space<vmem>>[vector<16xi32>], vector<16xf32>, vector<16xi1>
      %get3A_129 = arith.index_cast %mul3A_91 : i32 to index
      %get3A_130 = tpu.vector_load %arg11[%get3A_129] {strides = array<i32>} : memref<1264xf32, #tpu.memory_space<vmem>>, vector<16xf32>,
      tpu.vector_store_idx %arg17[%sub3A_109], %get3A_130 masked %ge3A_94 : memref<1280xf32, #tpu.memory_space<vmem>>[vector<16xi32>], vector<16xf32>, vector<16xi1>
      tpu.vector_store_idx %arg18[%sub3A_109], %get3A_92 masked %ge3A_94 : memref<1280xf32, #tpu.memory_space<vmem>>[vector<16xi32>], vector<16xf32>, vector<16xi1>
      %get3A_131 = arith.index_cast %mul3A_91 : i32 to index
      %get3A_132 = tpu.vector_load %arg12[%get3A_131] {strides = array<i32>} : memref<1264xf32, #tpu.memory_space<vmem>>, vector<16xf32>,
      tpu.vector_store_idx %arg19[%sub3A_109], %get3A_132 masked %ge3A_94 : memref<1280xf32, #tpu.memory_space<vmem>>[vector<16xi32>], vector<16xf32>, vector<16xi1>
      %add3A_133 = arith.addi %scan3A_88, %reduce_max3A_116 : i32
      scf.yield %add3A_133, %add3A_101 : i32, i32
    }
    %scan3A_50 = arith.constant 79 : i32
    %eq3A_51 = arith.constant 0 : i32
    %eq3A_52 = vector.broadcast %eq3A_51 : i32 to vector<16xi32>
    %eq3A_53 = arith.cmpi eq, %iota3A, %eq3A_52 : vector<16xi32>
    %eq3A_54 = arith.constant 1 : i32
    %eq3A_55 = vector.broadcast %eq3A_54 : i32 to vector<16xi32>
    %eq3A_56 = arith.cmpi eq, %iota3A, %eq3A_55 : vector<16xi32>
    %jit3A_57 = arith.constant 0 : i32
    %broadcast_in_dim3A = vector.broadcast %scan3A_49#1 : i32 to vector<16xi32>
    %broadcast_in_dim3A_58 = vector.broadcast %jit3A_57 : i32 to vector<16xi32>
    %select_n3A_59 = arith.select %eq3A_56, %broadcast_in_dim3A, %broadcast_in_dim3A_58 : vector<16xi1>, vector<16xi32>
    %broadcast_in_dim3A_60 = vector.broadcast %scan3A_49#0 : i32 to vector<16xi32>
    %select_n3A_61 = arith.select %eq3A_53, %broadcast_in_dim3A_60, %select_n3A_59 : vector<16xi1>, vector<16xi32>
    %swap3A = arith.constant 0 : index
    %swap3A_62 = tpu.vector_load %arg20[%swap3A] {strides = array<i32>} : memref<16xi32, #tpu.memory_space<vmem>>, vector<16xi32>,
    tpu.vector_store %arg20[%swap3A], %select_n3A_61 {strides = array<i32>} : memref<16xi32, #tpu.memory_space<vmem>>, vector<16xi32>,
    %mul3A_63 = arith.constant 4 : i32
    %mul3A_64 = arith.muli %add3A, %mul3A_63 : i32
    %add3A_65 = arith.addi %mul3A_64, %select_n3A_30 : i32
    %mul3A_66 = arith.constant 16 : i32
    %mul3A_67 = arith.muli %add3A_65, %mul3A_66 : i32
    "tpu.region"() ({
      %run_scoped3A = tpu.sem_alloc : memref<!tpu.dma_semaphore, #tpu.memory_space<semaphore_mem>>
      %dma_start3A = tpu.memref_slice %arg6[%mul3A_67] : memref<512xi32, #tpu.memory_space<hbm>> -> memref<16xi32, #tpu.memory_space<hbm>>
      %dma_start3A_87 = tpu.memref_slice %arg6[%mul3A_67] : memref<512xi32, #tpu.memory_space<hbm>> -> memref<16xi32, #tpu.memory_space<hbm>>
      tpu.enqueue_dma source(%arg20 : memref<16xi32, #tpu.memory_space<vmem>>) target(%dma_start3A_87 : memref<16xi32, #tpu.memory_space<hbm>>) target_semaphore(%run_scoped3A : memref<!tpu.dma_semaphore, #tpu.memory_space<semaphore_mem>>)
      %dma_wait3A = tpu.memref_slice %arg6[%mul3A_67] : memref<512xi32, #tpu.memory_space<hbm>> -> memref<16xi32, #tpu.memory_space<hbm>>
      %dma_wait3A_88 = tpu.memref_slice %arg6[%mul3A_67] : memref<512xi32, #tpu.memory_space<hbm>> -> memref<16xi32, #tpu.memory_space<hbm>>
      tpu.wait_dma2 semaphore(%run_scoped3A : memref<!tpu.dma_semaphore, #tpu.memory_space<semaphore_mem>>) src(%arg20 : memref<16xi32, #tpu.memory_space<vmem>>) dst(%dma_wait3A_88 : memref<16xi32, #tpu.memory_space<hbm>>)
      tpu.yield
    }) : () -> ()
    %mul3A_68 = arith.constant 640 : i32
    %mul3A_69 = arith.muli %add3A, %mul3A_68 : i32
    %mul3A_70 = arith.constant 160 : i32
    %mul3A_71 = arith.muli %select_n3A_30, %mul3A_70 : i32
    %add3A_72 = arith.addi %mul3A_69, %mul3A_71 : i32
    %add3A_73 = arith.constant 0 : i32
    %add3A_74 = arith.addi %add3A_73, %add3A_72 : i32
    "tpu.region"() ({
      %run_scoped3A = tpu.sem_alloc : memref<!tpu.dma_semaphore, #tpu.memory_space<semaphore_mem>>
      %dma_start3A = arith.constant 0 : i32
      %dma_start3A_87 = tpu.memref_slice %arg13[%dma_start3A] : memref<1280xf32, #tpu.memory_space<vmem>> -> memref<160xf32, #tpu.memory_space<vmem>>
      %dma_start3A_88 = tpu.memref_slice %arg5[%add3A_74] : memref<35840xf32, #tpu.memory_space<hbm>> -> memref<160xf32, #tpu.memory_space<hbm>>
      %dma_start3A_89 = tpu.memref_slice %arg5[%add3A_74] : memref<35840xf32, #tpu.memory_space<hbm>> -> memref<160xf32, #tpu.memory_space<hbm>>
      %dma_start3A_90 = arith.constant 0 : i32
      %dma_start3A_91 = tpu.memref_slice %arg13[%dma_start3A_90] : memref<1280xf32, #tpu.memory_space<vmem>> -> memref<160xf32, #tpu.memory_space<vmem>>
      tpu.enqueue_dma source(%dma_start3A_91 : memref<160xf32, #tpu.memory_space<vmem>>) target(%dma_start3A_89 : memref<160xf32, #tpu.memory_space<hbm>>) target_semaphore(%run_scoped3A : memref<!tpu.dma_semaphore, #tpu.memory_space<semaphore_mem>>)
      %dma_wait3A = arith.constant 0 : i32
      %dma_wait3A_92 = tpu.memref_slice %arg13[%dma_wait3A] : memref<1280xf32, #tpu.memory_space<vmem>> -> memref<160xf32, #tpu.memory_space<vmem>>
      %dma_wait3A_93 = tpu.memref_slice %arg5[%add3A_74] : memref<35840xf32, #tpu.memory_space<hbm>> -> memref<160xf32, #tpu.memory_space<hbm>>
      %dma_wait3A_94 = tpu.memref_slice %arg5[%add3A_74] : memref<35840xf32, #tpu.memory_space<hbm>> -> memref<160xf32, #tpu.memory_space<hbm>>
      %dma_wait3A_95 = arith.constant 0 : i32
      %dma_wait3A_96 = tpu.memref_slice %arg13[%dma_wait3A_95] : memref<1280xf32, #tpu.memory_space<vmem>> -> memref<160xf32, #tpu.memory_space<vmem>>
      tpu.wait_dma2 semaphore(%run_scoped3A : memref<!tpu.dma_semaphore, #tpu.memory_space<semaphore_mem>>) src(%dma_wait3A_96 : memref<160xf32, #tpu.memory_space<vmem>>) dst(%dma_wait3A_94 : memref<160xf32, #tpu.memory_space<hbm>>)
      tpu.yield
    }) : () -> ()
    %add3A_75 = arith.constant 5120 : i32
    %add3A_76 = arith.addi %add3A_75, %add3A_72 : i32
    "tpu.region"() ({
      %run_scoped3A = tpu.sem_alloc : memref<!tpu.dma_semaphore, #tpu.memory_space<semaphore_mem>>
      %dma_start3A = arith.constant 0 : i32
      %dma_start3A_87 = tpu.memref_slice %arg14[%dma_start3A] : memref<1280xf32, #tpu.memory_space<vmem>> -> memref<160xf32, #tpu.memory_space<vmem>>
      %dma_start3A_88 = tpu.memref_slice %arg5[%add3A_76] : memref<35840xf32, #tpu.memory_space<hbm>> -> memref<160xf32, #tpu.memory_space<hbm>>
      %dma_start3A_89 = tpu.memref_slice %arg5[%add3A_76] : memref<35840xf32, #tpu.memory_space<hbm>> -> memref<160xf32, #tpu.memory_space<hbm>>
      %dma_start3A_90 = arith.constant 0 : i32
      %dma_start3A_91 = tpu.memref_slice %arg14[%dma_start3A_90] : memref<1280xf32, #tpu.memory_space<vmem>> -> memref<160xf32, #tpu.memory_space<vmem>>
      tpu.enqueue_dma source(%dma_start3A_91 : memref<160xf32, #tpu.memory_space<vmem>>) target(%dma_start3A_89 : memref<160xf32, #tpu.memory_space<hbm>>) target_semaphore(%run_scoped3A : memref<!tpu.dma_semaphore, #tpu.memory_space<semaphore_mem>>)
      %dma_wait3A = arith.constant 0 : i32
      %dma_wait3A_92 = tpu.memref_slice %arg14[%dma_wait3A] : memref<1280xf32, #tpu.memory_space<vmem>> -> memref<160xf32, #tpu.memory_space<vmem>>
      %dma_wait3A_93 = tpu.memref_slice %arg5[%add3A_76] : memref<35840xf32, #tpu.memory_space<hbm>> -> memref<160xf32, #tpu.memory_space<hbm>>
      %dma_wait3A_94 = tpu.memref_slice %arg5[%add3A_76] : memref<35840xf32, #tpu.memory_space<hbm>> -> memref<160xf32, #tpu.memory_space<hbm>>
      %dma_wait3A_95 = arith.constant 0 : i32
      %dma_wait3A_96 = tpu.memref_slice %arg14[%dma_wait3A_95] : memref<1280xf32, #tpu.memory_space<vmem>> -> memref<160xf32, #tpu.memory_space<vmem>>
      tpu.wait_dma2 semaphore(%run_scoped3A : memref<!tpu.dma_semaphore, #tpu.memory_space<semaphore_mem>>) src(%dma_wait3A_96 : memref<160xf32, #tpu.memory_space<vmem>>) dst(%dma_wait3A_94 : memref<160xf32, #tpu.memory_space<hbm>>)
      tpu.yield
    }) : () -> ()
    %add3A_77 = arith.constant 10240 : i32
    %add3A_78 = arith.addi %add3A_77, %add3A_72 : i32
    "tpu.region"() ({
      %run_scoped3A = tpu.sem_alloc : memref<!tpu.dma_semaphore, #tpu.memory_space<semaphore_mem>>
      %dma_start3A = arith.constant 0 : i32
      %dma_start3A_87 = tpu.memref_slice %arg15[%dma_start3A] : memref<1280xf32, #tpu.memory_space<vmem>> -> memref<160xf32, #tpu.memory_space<vmem>>
      %dma_start3A_88 = tpu.memref_slice %arg5[%add3A_78] : memref<35840xf32, #tpu.memory_space<hbm>> -> memref<160xf32, #tpu.memory_space<hbm>>
      %dma_start3A_89 = tpu.memref_slice %arg5[%add3A_78] : memref<35840xf32, #tpu.memory_space<hbm>> -> memref<160xf32, #tpu.memory_space<hbm>>
      %dma_start3A_90 = arith.constant 0 : i32
      %dma_start3A_91 = tpu.memref_slice %arg15[%dma_start3A_90] : memref<1280xf32, #tpu.memory_space<vmem>> -> memref<160xf32, #tpu.memory_space<vmem>>
      tpu.enqueue_dma source(%dma_start3A_91 : memref<160xf32, #tpu.memory_space<vmem>>) target(%dma_start3A_89 : memref<160xf32, #tpu.memory_space<hbm>>) target_semaphore(%run_scoped3A : memref<!tpu.dma_semaphore, #tpu.memory_space<semaphore_mem>>)
      %dma_wait3A = arith.constant 0 : i32
      %dma_wait3A_92 = tpu.memref_slice %arg15[%dma_wait3A] : memref<1280xf32, #tpu.memory_space<vmem>> -> memref<160xf32, #tpu.memory_space<vmem>>
      %dma_wait3A_93 = tpu.memref_slice %arg5[%add3A_78] : memref<35840xf32, #tpu.memory_space<hbm>> -> memref<160xf32, #tpu.memory_space<hbm>>
      %dma_wait3A_94 = tpu.memref_slice %arg5[%add3A_78] : memref<35840xf32, #tpu.memory_space<hbm>> -> memref<160xf32, #tpu.memory_space<hbm>>
      %dma_wait3A_95 = arith.constant 0 : i32
      %dma_wait3A_96 = tpu.memref_slice %arg15[%dma_wait3A_95] : memref<1280xf32, #tpu.memory_space<vmem>> -> memref<160xf32, #tpu.memory_space<vmem>>
      tpu.wait_dma2 semaphore(%run_scoped3A : memref<!tpu.dma_semaphore, #tpu.memory_space<semaphore_mem>>) src(%dma_wait3A_96 : memref<160xf32, #tpu.memory_space<vmem>>) dst(%dma_wait3A_94 : memref<160xf32, #tpu.memory_space<hbm>>)
      tpu.yield
    }) : () -> ()
    %add3A_79 = arith.constant 15360 : i32
    %add3A_80 = arith.addi %add3A_79, %add3A_72 : i32
    "tpu.region"() ({
      %run_scoped3A = tpu.sem_alloc : memref<!tpu.dma_semaphore, #tpu.memory_space<semaphore_mem>>
      %dma_start3A = arith.constant 0 : i32
      %dma_start3A_87 = tpu.memref_slice %arg16[%dma_start3A] : memref<1280xf32, #tpu.memory_space<vmem>> -> memref<160xf32, #tpu.memory_space<vmem>>
      %dma_start3A_88 = tpu.memref_slice %arg5[%add3A_80] : memref<35840xf32, #tpu.memory_space<hbm>> -> memref<160xf32, #tpu.memory_space<hbm>>
      %dma_start3A_89 = tpu.memref_slice %arg5[%add3A_80] : memref<35840xf32, #tpu.memory_space<hbm>> -> memref<160xf32, #tpu.memory_space<hbm>>
      %dma_start3A_90 = arith.constant 0 : i32
      %dma_start3A_91 = tpu.memref_slice %arg16[%dma_start3A_90] : memref<1280xf32, #tpu.memory_space<vmem>> -> memref<160xf32, #tpu.memory_space<vmem>>
      tpu.enqueue_dma source(%dma_start3A_91 : memref<160xf32, #tpu.memory_space<vmem>>) target(%dma_start3A_89 : memref<160xf32, #tpu.memory_space<hbm>>) target_semaphore(%run_scoped3A : memref<!tpu.dma_semaphore, #tpu.memory_space<semaphore_mem>>)
      %dma_wait3A = arith.constant 0 : i32
      %dma_wait3A_92 = tpu.memref_slice %arg16[%dma_wait3A] : memref<1280xf32, #tpu.memory_space<vmem>> -> memref<160xf32, #tpu.memory_space<vmem>>
      %dma_wait3A_93 = tpu.memref_slice %arg5[%add3A_80] : memref<35840xf32, #tpu.memory_space<hbm>> -> memref<160xf32, #tpu.memory_space<hbm>>
      %dma_wait3A_94 = tpu.memref_slice %arg5[%add3A_80] : memref<35840xf32, #tpu.memory_space<hbm>> -> memref<160xf32, #tpu.memory_space<hbm>>
      %dma_wait3A_95 = arith.constant 0 : i32
      %dma_wait3A_96 = tpu.memref_slice %arg16[%dma_wait3A_95] : memref<1280xf32, #tpu.memory_space<vmem>> -> memref<160xf32, #tpu.memory_space<vmem>>
      tpu.wait_dma2 semaphore(%run_scoped3A : memref<!tpu.dma_semaphore, #tpu.memory_space<semaphore_mem>>) src(%dma_wait3A_96 : memref<160xf32, #tpu.memory_space<vmem>>) dst(%dma_wait3A_94 : memref<160xf32, #tpu.memory_space<hbm>>)
      tpu.yield
    }) : () -> ()
    %add3A_81 = arith.constant 20480 : i32
    %add3A_82 = arith.addi %add3A_81, %add3A_72 : i32
    "tpu.region"() ({
      %run_scoped3A = tpu.sem_alloc : memref<!tpu.dma_semaphore, #tpu.memory_space<semaphore_mem>>
      %dma_start3A = arith.constant 0 : i32
      %dma_start3A_87 = tpu.memref_slice %arg17[%dma_start3A] : memref<1280xf32, #tpu.memory_space<vmem>> -> memref<160xf32, #tpu.memory_space<vmem>>
      %dma_start3A_88 = tpu.memref_slice %arg5[%add3A_82] : memref<35840xf32, #tpu.memory_space<hbm>> -> memref<160xf32, #tpu.memory_space<hbm>>
      %dma_start3A_89 = tpu.memref_slice %arg5[%add3A_82] : memref<35840xf32, #tpu.memory_space<hbm>> -> memref<160xf32, #tpu.memory_space<hbm>>
      %dma_start3A_90 = arith.constant 0 : i32
      %dma_start3A_91 = tpu.memref_slice %arg17[%dma_start3A_90] : memref<1280xf32, #tpu.memory_space<vmem>> -> memref<160xf32, #tpu.memory_space<vmem>>
      tpu.enqueue_dma source(%dma_start3A_91 : memref<160xf32, #tpu.memory_space<vmem>>) target(%dma_start3A_89 : memref<160xf32, #tpu.memory_space<hbm>>) target_semaphore(%run_scoped3A : memref<!tpu.dma_semaphore, #tpu.memory_space<semaphore_mem>>)
      %dma_wait3A = arith.constant 0 : i32
      %dma_wait3A_92 = tpu.memref_slice %arg17[%dma_wait3A] : memref<1280xf32, #tpu.memory_space<vmem>> -> memref<160xf32, #tpu.memory_space<vmem>>
      %dma_wait3A_93 = tpu.memref_slice %arg5[%add3A_82] : memref<35840xf32, #tpu.memory_space<hbm>> -> memref<160xf32, #tpu.memory_space<hbm>>
      %dma_wait3A_94 = tpu.memref_slice %arg5[%add3A_82] : memref<35840xf32, #tpu.memory_space<hbm>> -> memref<160xf32, #tpu.memory_space<hbm>>
      %dma_wait3A_95 = arith.constant 0 : i32
      %dma_wait3A_96 = tpu.memref_slice %arg17[%dma_wait3A_95] : memref<1280xf32, #tpu.memory_space<vmem>> -> memref<160xf32, #tpu.memory_space<vmem>>
      tpu.wait_dma2 semaphore(%run_scoped3A : memref<!tpu.dma_semaphore, #tpu.memory_space<semaphore_mem>>) src(%dma_wait3A_96 : memref<160xf32, #tpu.memory_space<vmem>>) dst(%dma_wait3A_94 : memref<160xf32, #tpu.memory_space<hbm>>)
      tpu.yield
    }) : () -> ()
    %add3A_83 = arith.constant 25600 : i32
    %add3A_84 = arith.addi %add3A_83, %add3A_72 : i32
    "tpu.region"() ({
      %run_scoped3A = tpu.sem_alloc : memref<!tpu.dma_semaphore, #tpu.memory_space<semaphore_mem>>
      %dma_start3A = arith.constant 0 : i32
      %dma_start3A_87 = tpu.memref_slice %arg18[%dma_start3A] : memref<1280xf32, #tpu.memory_space<vmem>> -> memref<160xf32, #tpu.memory_space<vmem>>
      %dma_start3A_88 = tpu.memref_slice %arg5[%add3A_84] : memref<35840xf32, #tpu.memory_space<hbm>> -> memref<160xf32, #tpu.memory_space<hbm>>
      %dma_start3A_89 = tpu.memref_slice %arg5[%add3A_84] : memref<35840xf32, #tpu.memory_space<hbm>> -> memref<160xf32, #tpu.memory_space<hbm>>
      %dma_start3A_90 = arith.constant 0 : i32
      %dma_start3A_91 = tpu.memref_slice %arg18[%dma_start3A_90] : memref<1280xf32, #tpu.memory_space<vmem>> -> memref<160xf32, #tpu.memory_space<vmem>>
      tpu.enqueue_dma source(%dma_start3A_91 : memref<160xf32, #tpu.memory_space<vmem>>) target(%dma_start3A_89 : memref<160xf32, #tpu.memory_space<hbm>>) target_semaphore(%run_scoped3A : memref<!tpu.dma_semaphore, #tpu.memory_space<semaphore_mem>>)
      %dma_wait3A = arith.constant 0 : i32
      %dma_wait3A_92 = tpu.memref_slice %arg18[%dma_wait3A] : memref<1280xf32, #tpu.memory_space<vmem>> -> memref<160xf32, #tpu.memory_space<vmem>>
      %dma_wait3A_93 = tpu.memref_slice %arg5[%add3A_84] : memref<35840xf32, #tpu.memory_space<hbm>> -> memref<160xf32, #tpu.memory_space<hbm>>
      %dma_wait3A_94 = tpu.memref_slice %arg5[%add3A_84] : memref<35840xf32, #tpu.memory_space<hbm>> -> memref<160xf32, #tpu.memory_space<hbm>>
      %dma_wait3A_95 = arith.constant 0 : i32
      %dma_wait3A_96 = tpu.memref_slice %arg18[%dma_wait3A_95] : memref<1280xf32, #tpu.memory_space<vmem>> -> memref<160xf32, #tpu.memory_space<vmem>>
      tpu.wait_dma2 semaphore(%run_scoped3A : memref<!tpu.dma_semaphore, #tpu.memory_space<semaphore_mem>>) src(%dma_wait3A_96 : memref<160xf32, #tpu.memory_space<vmem>>) dst(%dma_wait3A_94 : memref<160xf32, #tpu.memory_space<hbm>>)
      tpu.yield
    }) : () -> ()
    %add3A_85 = arith.constant 30720 : i32
    %add3A_86 = arith.addi %add3A_85, %add3A_72 : i32
    "tpu.region"() ({
      %run_scoped3A = tpu.sem_alloc : memref<!tpu.dma_semaphore, #tpu.memory_space<semaphore_mem>>
      %dma_start3A = arith.constant 0 : i32
      %dma_start3A_87 = tpu.memref_slice %arg19[%dma_start3A] : memref<1280xf32, #tpu.memory_space<vmem>> -> memref<160xf32, #tpu.memory_space<vmem>>
      %dma_start3A_88 = tpu.memref_slice %arg5[%add3A_86] : memref<35840xf32, #tpu.memory_space<hbm>> -> memref<160xf32, #tpu.memory_space<hbm>>
      %dma_start3A_89 = tpu.memref_slice %arg5[%add3A_86] : memref<35840xf32, #tpu.memory_space<hbm>> -> memref<160xf32, #tpu.memory_space<hbm>>
      %dma_start3A_90 = arith.constant 0 : i32
      %dma_start3A_91 = tpu.memref_slice %arg19[%dma_start3A_90] : memref<1280xf32, #tpu.memory_space<vmem>> -> memref<160xf32, #tpu.memory_space<vmem>>
      tpu.enqueue_dma source(%dma_start3A_91 : memref<160xf32, #tpu.memory_space<vmem>>) target(%dma_start3A_89 : memref<160xf32, #tpu.memory_space<hbm>>) target_semaphore(%run_scoped3A : memref<!tpu.dma_semaphore, #tpu.memory_space<semaphore_mem>>)
      %dma_wait3A = arith.constant 0 : i32
      %dma_wait3A_92 = tpu.memref_slice %arg19[%dma_wait3A] : memref<1280xf32, #tpu.memory_space<vmem>> -> memref<160xf32, #tpu.memory_space<vmem>>
      %dma_wait3A_93 = tpu.memref_slice %arg5[%add3A_86] : memref<35840xf32, #tpu.memory_space<hbm>> -> memref<160xf32, #tpu.memory_space<hbm>>
      %dma_wait3A_94 = tpu.memref_slice %arg5[%add3A_86] : memref<35840xf32, #tpu.memory_space<hbm>> -> memref<160xf32, #tpu.memory_space<hbm>>
      %dma_wait3A_95 = arith.constant 0 : i32
      %dma_wait3A_96 = tpu.memref_slice %arg19[%dma_wait3A_95] : memref<1280xf32, #tpu.memory_space<vmem>> -> memref<160xf32, #tpu.memory_space<vmem>>
      tpu.wait_dma2 semaphore(%run_scoped3A : memref<!tpu.dma_semaphore, #tpu.memory_space<semaphore_mem>>) src(%dma_wait3A_96 : memref<160xf32, #tpu.memory_space<vmem>>) dst(%dma_wait3A_94 : memref<160xf32, #tpu.memory_space<hbm>>)
      tpu.yield
    }) : () -> ()
    return
  }
}

module attributes {stable_mosaic.version = 14 : i64} {
  func.func @_stage1_body(%arg0: i32, %arg1: memref<8x1000x80xf32, #tpu.memory_space<vmem>>, %arg2: memref<8x1000x80xf32, #tpu.memory_space<vmem>>, %arg3: memref<1x8x1000xf32, #tpu.memory_space<vmem>>, %arg4: memref<1x8x1000xf32, #tpu.memory_space<vmem>>) attributes {dimension_semantics = [#tpu.dimension_semantics<arbitrary>], iteration_bounds = array<i64: 5>, scalar_prefetch = 0 : i64, scratch_operands = 0 : i64, tpu.core_type = #tpu.core_type<tc>, window_params = [{transform_indices = @transform_0, window_bounds = array<i64: 8, 1000, 80>}, {transform_indices = @transform_1, window_bounds = array<i64: 8, 1000, 80>}, {transform_indices = @transform_2, window_bounds = array<i64: 1, 8, 1000>}, {transform_indices = @transform_3, window_bounds = array<i64: 1, 8, 1000>}]} {
    %get3A = arith.constant 0 : index
    %get3A_0 = arith.constant 0 : index
    %get3A_1 = arith.constant 0 : index
    %get3A_2 = vector.load %arg1[%get3A, %get3A_0, %get3A_1] : memref<8x1000x80xf32, #tpu.memory_space<vmem>>, vector<8x1000x80xf32>
    %reduce_max3A = arith.constant dense<0xFF800000> : vector<8x1000xf32>
    %reduce_max3A_3 = vector.multi_reduction <maximumf>, %get3A_2, %reduce_max3A [2] : vector<8x1000x80xf32> to vector<8x1000xf32>
    %swap3A = arith.constant 0 : index
    %swap3A_4 = arith.constant 0 : index
    %swap3A_5 = arith.constant 0 : index
    %swap3A_6 = vector.load %arg3[%swap3A, %swap3A_4, %swap3A_5] : memref<1x8x1000xf32, #tpu.memory_space<vmem>>, vector<1x8x1000xf32>
    %swap3A_7 = vector.shape_cast %swap3A_6 : vector<1x8x1000xf32> to vector<8x1000xf32>
    %swap3A_8 = vector.shape_cast %reduce_max3A_3 : vector<8x1000xf32> to vector<1x8x1000xf32>
    tpu.vector_store %arg3[%swap3A, %swap3A_4, %swap3A_5], %swap3A_8 {strides = array<i32>} : memref<1x8x1000xf32, #tpu.memory_space<vmem>>, vector<1x8x1000xf32>,
    %get3A_9 = arith.constant 0 : index
    %get3A_10 = arith.constant 0 : index
    %get3A_11 = arith.constant 0 : index
    %get3A_12 = vector.load %arg2[%get3A_9, %get3A_10, %get3A_11] : memref<8x1000x80xf32, #tpu.memory_space<vmem>>, vector<8x1000x80xf32>
    %reduce_max3A_13 = arith.constant dense<0xFF800000> : vector<8x1000xf32>
    %reduce_max3A_14 = vector.multi_reduction <maximumf>, %get3A_12, %reduce_max3A_13 [2] : vector<8x1000x80xf32> to vector<8x1000xf32>
    %broadcast_in_dim3A = vector.shape_cast %reduce_max3A_14 : vector<8x1000xf32> to vector<8x1000x1xf32>
    %iota3A = tpu.iota {dimensions = array<i32: 2>} : vector<8x1000x80xi32>
    %convert_element_type3A = arith.sitofp %iota3A : vector<8x1000x80xi32> to vector<8x1000x80xf32>
    %eq3A = vector.broadcast %broadcast_in_dim3A : vector<8x1000x1xf32> to vector<8x1000x80xf32>
    %eq3A_15 = arith.cmpf oeq, %get3A_12, %eq3A : vector<8x1000x80xf32>
    %jit3A = arith.constant 8.000000e+01 : f32
    %broadcast_in_dim3A_16 = vector.broadcast %jit3A : f32 to vector<8x1000x80xf32>
    %select_n3A = arith.select %eq3A_15, %convert_element_type3A, %broadcast_in_dim3A_16 : vector<8x1000x80xi1>, vector<8x1000x80xf32>
    %reduce_min3A = arith.constant dense<0x7F800000> : vector<8x1000xf32>
    %reduce_min3A_17 = vector.multi_reduction <minimumf>, %select_n3A, %reduce_min3A [2] : vector<8x1000x80xf32> to vector<8x1000xf32>
    %swap3A_18 = arith.constant 0 : index
    %swap3A_19 = arith.constant 0 : index
    %swap3A_20 = arith.constant 0 : index
    %swap3A_21 = vector.load %arg4[%swap3A_18, %swap3A_19, %swap3A_20] : memref<1x8x1000xf32, #tpu.memory_space<vmem>>, vector<1x8x1000xf32>
    %swap3A_22 = vector.shape_cast %swap3A_21 : vector<1x8x1000xf32> to vector<8x1000xf32>
    %swap3A_23 = vector.shape_cast %reduce_min3A_17 : vector<8x1000xf32> to vector<1x8x1000xf32>
    tpu.vector_store %arg4[%swap3A_18, %swap3A_19, %swap3A_20], %swap3A_23 {strides = array<i32>} : memref<1x8x1000xf32, #tpu.memory_space<vmem>>, vector<1x8x1000xf32>,
    return
  }
  func.func @transform_0(%arg0: i32) -> (i32, i32, i32) {
    %c0_i32 = arith.constant 0 : i32
    %c0_i32_0 = arith.constant 0 : i32
    %c0_i32_1 = arith.constant 0 : i32
    return %c0_i32, %arg0, %c0_i32_0 : i32, i32, i32
  }
  func.func @transform_1(%arg0: i32) -> (i32, i32, i32) {
    %c0_i32 = arith.constant 0 : i32
    %c0_i32_0 = arith.constant 0 : i32
    %c0_i32_1 = arith.constant 0 : i32
    return %c0_i32, %arg0, %c0_i32_0 : i32, i32, i32
  }
  func.func @transform_2(%arg0: i32) -> (i32, i32, i32) {
    %c0_i32 = arith.constant 0 : i32
    %c0_i32_0 = arith.constant 0 : i32
    %c0_i32_1 = arith.constant 0 : i32
    return %arg0, %c0_i32, %c0_i32_0 : i32, i32, i32
  }
  func.func @transform_3(%arg0: i32) -> (i32, i32, i32) {
    %c0_i32 = arith.constant 0 : i32
    %c0_i32_0 = arith.constant 0 : i32
    %c0_i32_1 = arith.constant 0 : i32
    return %arg0, %c0_i32, %c0_i32_0 : i32, i32, i32
  }
}

module attributes {stable_mosaic.version = 14 : i64} {
  func.func @_stage3_body(%arg0: memref<7x8x640xf32, #tpu.memory_space<vmem>>, %arg1: memref<8x64xi32, #tpu.memory_space<vmem>>, %arg2: memref<4x8x5056xf32, #tpu.memory_space<vmem>>, %arg3: memref<8x5056xf32, #tpu.memory_space<vmem>>, %arg4: memref<8x5056xf32, #tpu.memory_space<vmem>>, %arg5: memref<4x8x128xf32, #tpu.memory_space<vmem>>, %arg6: memref<8x128xf32, #tpu.memory_space<vmem>>, %arg7: memref<8x128xf32, #tpu.memory_space<vmem>>, %arg8: memref<8x128xf32, #tpu.memory_space<vmem>>, %arg9: memref<8x1xi32, #tpu.memory_space<vmem>>) attributes {dimension_semantics = [], scalar_prefetch = 0 : i64, scratch_operands = 0 : i64, tpu.core_type = #tpu.core_type<tc>} {
    %get3A = arith.constant 0 : index
    %get3A_0 = arith.constant 0 : index
    %get3A_1 = vector.load %arg1[%get3A, %get3A_0] : memref<8x64xi32, #tpu.memory_space<vmem>>, vector<8x64xi32>
    %iota3A = tpu.iota {dimensions = array<i32: 1>} : vector<8x640xi32>
    %get3A_2 = arith.constant 5 : index
    %get3A_3 = arith.constant 0 : index
    %get3A_4 = arith.constant 0 : index
    %get3A_5 = vector.load %arg0[%get3A_2, %get3A_3, %get3A_4] : memref<7x8x640xf32, #tpu.memory_space<vmem>>, vector<1x8x640xf32>
    %get3A_6 = vector.shape_cast %get3A_5 : vector<1x8x640xf32> to vector<8x640xf32>
    %ge3A = arith.constant 2.500000e-01 : f32
    %ge3A_7 = vector.broadcast %ge3A : f32 to vector<8x640xf32>
    %ge3A_8 = arith.cmpf oge, %get3A_6, %ge3A_7 : vector<8x640xf32>
    %jit3A = arith.constant -1.000000e+30 : f32
    %broadcast_in_dim3A = vector.broadcast %jit3A : f32 to vector<8x640xf32>
    %select_n3A = arith.select %ge3A_8, %get3A_6, %broadcast_in_dim3A : vector<8x640xi1>, vector<8x640xf32>
    %broadcast_in_dim3A_9 = arith.constant 0 : i32
    %broadcast_in_dim3A_10 = vector.broadcast %broadcast_in_dim3A_9 : i32 to vector<8x1xi32>
    %broadcast_in_dim3A_11 = arith.constant 0 : i32
    %broadcast_in_dim3A_12 = vector.broadcast %broadcast_in_dim3A_11 : i32 to vector<8x1xi32>
    %broadcast_in_dim3A_13 = arith.constant false
    %broadcast_in_dim3A_14 = vector.broadcast %broadcast_in_dim3A_13 : i1 to vector<8x1xi1>
    %slice3A = vector.extract_strided_slice %get3A_1 {offsets = [0, 0], sizes = [8, 1], strides = [1, 1]} : vector<8x64xi32> to vector<8x1xi32>
    %slice3A_15 = vector.extract_strided_slice %get3A_1 {offsets = [0, 1], sizes = [8, 1], strides = [1, 1]} : vector<8x64xi32> to vector<8x1xi32>
    %ge3A_16 = arith.constant 0 : i32
    %ge3A_17 = vector.broadcast %ge3A_16 : i32 to vector<8x640xi32>
    %ge3A_18 = arith.cmpi sge, %iota3A, %ge3A_17 : vector<8x640xi32>
    %lt3A = arith.constant 160 : i32
    %lt3A_19 = vector.broadcast %lt3A : i32 to vector<8x640xi32>
    %lt3A_20 = arith.cmpi slt, %iota3A, %lt3A_19 : vector<8x640xi32>
    %and3A = arith.andi %ge3A_18, %lt3A_20 : vector<8x640xi1>
    %sub3A = arith.constant 0 : i32
    %sub3A_21 = vector.broadcast %sub3A : i32 to vector<8x640xi32>
    %sub3A_22 = arith.subi %iota3A, %sub3A_21 : vector<8x640xi32>
    %ge3A_23 = vector.broadcast %slice3A : vector<8x1xi32> to vector<8x640xi32>
    %ge3A_24 = arith.cmpi sge, %sub3A_22, %ge3A_23 : vector<8x640xi32>
    %and3A_25 = arith.andi %and3A, %ge3A_24 : vector<8x640xi1>
    %jit3A_26 = arith.constant -1.000000e+30 : f32
    %broadcast_in_dim3A_27 = vector.broadcast %jit3A_26 : f32 to vector<8x640xf32>
    %select_n3A_28 = arith.select %and3A_25, %broadcast_in_dim3A_27, %select_n3A : vector<8x640xi1>, vector<8x640xf32>
    %min3A = arith.constant 160 : i32
    %min3A_29 = vector.broadcast %min3A : i32 to vector<8x1xi32>
    %min3A_30 = arith.minsi %slice3A, %min3A_29 : vector<8x1xi32>
    %add3A = arith.addi %broadcast_in_dim3A_10, %min3A_30 : vector<8x1xi32>
    %add3A_31 = arith.addi %broadcast_in_dim3A_12, %slice3A_15 : vector<8x1xi32>
    %gt3A = arith.constant 160 : i32
    %gt3A_32 = vector.broadcast %gt3A : i32 to vector<8x1xi32>
    %gt3A_33 = arith.cmpi sgt, %slice3A, %gt3A_32 : vector<8x1xi32>
    %or3A = arith.ori %broadcast_in_dim3A_14, %gt3A_33 : vector<8x1xi1>
    %slice3A_34 = vector.extract_strided_slice %get3A_1 {offsets = [0, 16], sizes = [8, 1], strides = [1, 1]} : vector<8x64xi32> to vector<8x1xi32>
    %slice3A_35 = vector.extract_strided_slice %get3A_1 {offsets = [0, 17], sizes = [8, 1], strides = [1, 1]} : vector<8x64xi32> to vector<8x1xi32>
    %ge3A_36 = arith.constant 160 : i32
    %ge3A_37 = vector.broadcast %ge3A_36 : i32 to vector<8x640xi32>
    %ge3A_38 = arith.cmpi sge, %iota3A, %ge3A_37 : vector<8x640xi32>
    %lt3A_39 = arith.constant 320 : i32
    %lt3A_40 = vector.broadcast %lt3A_39 : i32 to vector<8x640xi32>
    %lt3A_41 = arith.cmpi slt, %iota3A, %lt3A_40 : vector<8x640xi32>
    %and3A_42 = arith.andi %ge3A_38, %lt3A_41 : vector<8x640xi1>
    %sub3A_43 = arith.constant 160 : i32
    %sub3A_44 = vector.broadcast %sub3A_43 : i32 to vector<8x640xi32>
    %sub3A_45 = arith.subi %iota3A, %sub3A_44 : vector<8x640xi32>
    %ge3A_46 = vector.broadcast %slice3A_34 : vector<8x1xi32> to vector<8x640xi32>
    %ge3A_47 = arith.cmpi sge, %sub3A_45, %ge3A_46 : vector<8x640xi32>
    %and3A_48 = arith.andi %and3A_42, %ge3A_47 : vector<8x640xi1>
    %jit3A_49 = arith.constant -1.000000e+30 : f32
    %broadcast_in_dim3A_50 = vector.broadcast %jit3A_49 : f32 to vector<8x640xf32>
    %select_n3A_51 = arith.select %and3A_48, %broadcast_in_dim3A_50, %select_n3A_28 : vector<8x640xi1>, vector<8x640xf32>
    %min3A_52 = arith.constant 160 : i32
    %min3A_53 = vector.broadcast %min3A_52 : i32 to vector<8x1xi32>
    %min3A_54 = arith.minsi %slice3A_34, %min3A_53 : vector<8x1xi32>
    %add3A_55 = arith.addi %add3A, %min3A_54 : vector<8x1xi32>
    %add3A_56 = arith.addi %add3A_31, %slice3A_35 : vector<8x1xi32>
    %gt3A_57 = arith.constant 160 : i32
    %gt3A_58 = vector.broadcast %gt3A_57 : i32 to vector<8x1xi32>
    %gt3A_59 = arith.cmpi sgt, %slice3A_34, %gt3A_58 : vector<8x1xi32>
    %or3A_60 = arith.ori %or3A, %gt3A_59 : vector<8x1xi1>
    %slice3A_61 = vector.extract_strided_slice %get3A_1 {offsets = [0, 32], sizes = [8, 1], strides = [1, 1]} : vector<8x64xi32> to vector<8x1xi32>
    %slice3A_62 = vector.extract_strided_slice %get3A_1 {offsets = [0, 33], sizes = [8, 1], strides = [1, 1]} : vector<8x64xi32> to vector<8x1xi32>
    %ge3A_63 = arith.constant 320 : i32
    %ge3A_64 = vector.broadcast %ge3A_63 : i32 to vector<8x640xi32>
    %ge3A_65 = arith.cmpi sge, %iota3A, %ge3A_64 : vector<8x640xi32>
    %lt3A_66 = arith.constant 480 : i32
    %lt3A_67 = vector.broadcast %lt3A_66 : i32 to vector<8x640xi32>
    %lt3A_68 = arith.cmpi slt, %iota3A, %lt3A_67 : vector<8x640xi32>
    %and3A_69 = arith.andi %ge3A_65, %lt3A_68 : vector<8x640xi1>
    %sub3A_70 = arith.constant 320 : i32
    %sub3A_71 = vector.broadcast %sub3A_70 : i32 to vector<8x640xi32>
    %sub3A_72 = arith.subi %iota3A, %sub3A_71 : vector<8x640xi32>
    %ge3A_73 = vector.broadcast %slice3A_61 : vector<8x1xi32> to vector<8x640xi32>
    %ge3A_74 = arith.cmpi sge, %sub3A_72, %ge3A_73 : vector<8x640xi32>
    %and3A_75 = arith.andi %and3A_69, %ge3A_74 : vector<8x640xi1>
    %jit3A_76 = arith.constant -1.000000e+30 : f32
    %broadcast_in_dim3A_77 = vector.broadcast %jit3A_76 : f32 to vector<8x640xf32>
    %select_n3A_78 = arith.select %and3A_75, %broadcast_in_dim3A_77, %select_n3A_51 : vector<8x640xi1>, vector<8x640xf32>
    %min3A_79 = arith.constant 160 : i32
    %min3A_80 = vector.broadcast %min3A_79 : i32 to vector<8x1xi32>
    %min3A_81 = arith.minsi %slice3A_61, %min3A_80 : vector<8x1xi32>
    %add3A_82 = arith.addi %add3A_55, %min3A_81 : vector<8x1xi32>
    %add3A_83 = arith.addi %add3A_56, %slice3A_62 : vector<8x1xi32>
    %gt3A_84 = arith.constant 160 : i32
    %gt3A_85 = vector.broadcast %gt3A_84 : i32 to vector<8x1xi32>
    %gt3A_86 = arith.cmpi sgt, %slice3A_61, %gt3A_85 : vector<8x1xi32>
    %or3A_87 = arith.ori %or3A_60, %gt3A_86 : vector<8x1xi1>
    %slice3A_88 = vector.extract_strided_slice %get3A_1 {offsets = [0, 48], sizes = [8, 1], strides = [1, 1]} : vector<8x64xi32> to vector<8x1xi32>
    %slice3A_89 = vector.extract_strided_slice %get3A_1 {offsets = [0, 49], sizes = [8, 1], strides = [1, 1]} : vector<8x64xi32> to vector<8x1xi32>
    %ge3A_90 = arith.constant 480 : i32
    %ge3A_91 = vector.broadcast %ge3A_90 : i32 to vector<8x640xi32>
    %ge3A_92 = arith.cmpi sge, %iota3A, %ge3A_91 : vector<8x640xi32>
    %lt3A_93 = arith.constant 640 : i32
    %lt3A_94 = vector.broadcast %lt3A_93 : i32 to vector<8x640xi32>
    %lt3A_95 = arith.cmpi slt, %iota3A, %lt3A_94 : vector<8x640xi32>
    %and3A_96 = arith.andi %ge3A_92, %lt3A_95 : vector<8x640xi1>
    %sub3A_97 = arith.constant 480 : i32
    %sub3A_98 = vector.broadcast %sub3A_97 : i32 to vector<8x640xi32>
    %sub3A_99 = arith.subi %iota3A, %sub3A_98 : vector<8x640xi32>
    %ge3A_100 = vector.broadcast %slice3A_88 : vector<8x1xi32> to vector<8x640xi32>
    %ge3A_101 = arith.cmpi sge, %sub3A_99, %ge3A_100 : vector<8x640xi32>
    %and3A_102 = arith.andi %and3A_96, %ge3A_101 : vector<8x640xi1>
    %jit3A_103 = arith.constant -1.000000e+30 : f32
    %broadcast_in_dim3A_104 = vector.broadcast %jit3A_103 : f32 to vector<8x640xf32>
    %select_n3A_105 = arith.select %and3A_102, %broadcast_in_dim3A_104, %select_n3A_78 : vector<8x640xi1>, vector<8x640xf32>
    %min3A_106 = arith.constant 160 : i32
    %min3A_107 = vector.broadcast %min3A_106 : i32 to vector<8x1xi32>
    %min3A_108 = arith.minsi %slice3A_88, %min3A_107 : vector<8x1xi32>
    %add3A_109 = arith.addi %add3A_82, %min3A_108 : vector<8x1xi32>
    %add3A_110 = arith.addi %add3A_83, %slice3A_89 : vector<8x1xi32>
    %gt3A_111 = arith.constant 160 : i32
    %gt3A_112 = vector.broadcast %gt3A_111 : i32 to vector<8x1xi32>
    %gt3A_113 = arith.cmpi sgt, %slice3A_88, %gt3A_112 : vector<8x1xi32>
    %or3A_114 = arith.ori %or3A_87, %gt3A_113 : vector<8x1xi1>
    %iota3A_115 = tpu.iota {dimensions = array<i32: 1>} : vector<8x128xi32>
    %broadcast_in_dim3A_116 = arith.constant 0.000000e+00 : f32
    %broadcast_in_dim3A_117 = vector.broadcast %broadcast_in_dim3A_116 : f32 to vector<8x128xf32>
    %sub3A_118 = arith.constant 1.000000e+00 : f32
    %sub3A_119 = vector.broadcast %sub3A_118 : f32 to vector<8x128xf32>
    %sub3A_120 = arith.subf %broadcast_in_dim3A_117, %sub3A_119 : vector<8x128xf32>
    %scan3A = arith.constant 0 : i32
    %scan3A_121 = arith.constant 100 : i32
    %scan3A_122 = arith.addi %scan3A, %scan3A_121 : i32
    %scan3A_123 = arith.constant 1 : i32
    %scan3A_124:8 = scf.for %scan3A_195 = %scan3A to %scan3A_122 step %scan3A_123 iter_args(%scan3A_196 = %select_n3A_105, %scan3A_197 = %broadcast_in_dim3A_117, %scan3A_198 = %broadcast_in_dim3A_117, %scan3A_199 = %broadcast_in_dim3A_117, %scan3A_200 = %broadcast_in_dim3A_117, %scan3A_201 = %broadcast_in_dim3A_117, %scan3A_202 = %broadcast_in_dim3A_117, %scan3A_203 = %sub3A_120) -> (vector<8x640xf32>, vector<8x128xf32>, vector<8x128xf32>, vector<8x128xf32>, vector<8x128xf32>, vector<8x128xf32>, vector<8x128xf32>, vector<8x128xf32>)  : i32 {
      %get3A_204 = arith.constant 1 : index
      %get3A_205 = arith.constant 0 : index
      %get3A_206 = arith.constant 0 : index
      %get3A_207 = vector.load %arg0[%get3A_204, %get3A_205, %get3A_206] : memref<7x8x640xf32, #tpu.memory_space<vmem>>, vector<1x8x640xf32>
      %get3A_208 = vector.shape_cast %get3A_207 : vector<1x8x640xf32> to vector<8x640xf32>
      %get3A_209 = arith.constant 2 : index
      %get3A_210 = arith.constant 0 : index
      %get3A_211 = arith.constant 0 : index
      %get3A_212 = vector.load %arg0[%get3A_209, %get3A_210, %get3A_211] : memref<7x8x640xf32, #tpu.memory_space<vmem>>, vector<1x8x640xf32>
      %get3A_213 = vector.shape_cast %get3A_212 : vector<1x8x640xf32> to vector<8x640xf32>
      %get3A_214 = arith.constant 3 : index
      %get3A_215 = arith.constant 0 : index
      %get3A_216 = arith.constant 0 : index
      %get3A_217 = vector.load %arg0[%get3A_214, %get3A_215, %get3A_216] : memref<7x8x640xf32, #tpu.memory_space<vmem>>, vector<1x8x640xf32>
      %get3A_218 = vector.shape_cast %get3A_217 : vector<1x8x640xf32> to vector<8x640xf32>
      %get3A_219 = arith.constant 4 : index
      %get3A_220 = arith.constant 0 : index
      %get3A_221 = arith.constant 0 : index
      %get3A_222 = vector.load %arg0[%get3A_219, %get3A_220, %get3A_221] : memref<7x8x640xf32, #tpu.memory_space<vmem>>, vector<1x8x640xf32>
      %get3A_223 = vector.shape_cast %get3A_222 : vector<1x8x640xf32> to vector<8x640xf32>
      %get3A_224 = arith.constant 6 : index
      %get3A_225 = arith.constant 0 : index
      %get3A_226 = arith.constant 0 : index
      %get3A_227 = vector.load %arg0[%get3A_224, %get3A_225, %get3A_226] : memref<7x8x640xf32, #tpu.memory_space<vmem>>, vector<1x8x640xf32>
      %get3A_228 = vector.shape_cast %get3A_227 : vector<1x8x640xf32> to vector<8x640xf32>
      %get3A_229 = arith.constant 0 : index
      %get3A_230 = arith.constant 0 : index
      %get3A_231 = arith.constant 0 : index
      %get3A_232 = vector.load %arg0[%get3A_229, %get3A_230, %get3A_231] : memref<7x8x640xf32, #tpu.memory_space<vmem>>, vector<1x8x640xf32>
      %get3A_233 = vector.shape_cast %get3A_232 : vector<1x8x640xf32> to vector<8x640xf32>
      %sub3A_234 = arith.subf %get3A_218, %get3A_208 : vector<8x640xf32>
      %sub3A_235 = arith.subf %get3A_223, %get3A_213 : vector<8x640xf32>
      %mul3A = arith.mulf %sub3A_234, %sub3A_235 : vector<8x640xf32>
      %reduce_max3A = arith.constant dense<0xFF800000> : vector<8xf32>
      %reduce_max3A_236 = vector.multi_reduction <maximumf>, %scan3A_196, %reduce_max3A [1] : vector<8x640xf32> to vector<8xf32>
      %broadcast_in_dim3A_237 = vector.shape_cast %reduce_max3A_236 : vector<8xf32> to vector<8x1xf32>
      %gt3A_238 = arith.constant -5.000000e+29 : f32
      %gt3A_239 = vector.broadcast %gt3A_238 : f32 to vector<8x1xf32>
      %gt3A_240 = arith.cmpf ogt, %broadcast_in_dim3A_237, %gt3A_239 : vector<8x1xf32>
      %eq3A_241 = vector.broadcast %broadcast_in_dim3A_237 : vector<8x1xf32> to vector<8x640xf32>
      %eq3A_242 = arith.cmpf oeq, %scan3A_196, %eq3A_241 : vector<8x640xf32>
      %jit3A_243 = arith.constant 1.000000e+09 : f32
      %broadcast_in_dim3A_244 = vector.broadcast %jit3A_243 : f32 to vector<8x640xf32>
      %select_n3A_245 = arith.select %eq3A_242, %get3A_233, %broadcast_in_dim3A_244 : vector<8x640xi1>, vector<8x640xf32>
      %reduce_min3A = arith.constant dense<0x7F800000> : vector<8xf32>
      %reduce_min3A_246 = vector.multi_reduction <minimumf>, %select_n3A_245, %reduce_min3A [1] : vector<8x640xf32> to vector<8xf32>
      %broadcast_in_dim3A_247 = vector.shape_cast %reduce_min3A_246 : vector<8xf32> to vector<8x1xf32>
      %eq3A_248 = vector.broadcast %broadcast_in_dim3A_247 : vector<8x1xf32> to vector<8x640xf32>
      %eq3A_249 = arith.cmpf oeq, %get3A_233, %eq3A_248 : vector<8x640xf32>
      %and3A_250 = arith.andi %eq3A_249, %eq3A_242 : vector<8x640xi1>
      %jit3A_251 = arith.constant 0xFF800000 : f32
      %broadcast_in_dim3A_252 = vector.broadcast %jit3A_251 : f32 to vector<8x640xf32>
      %select_n3A_253 = arith.select %and3A_250, %get3A_208, %broadcast_in_dim3A_252 : vector<8x640xi1>, vector<8x640xf32>
      %reduce_max3A_254 = arith.constant dense<0xFF800000> : vector<8xf32>
      %reduce_max3A_255 = vector.multi_reduction <maximumf>, %select_n3A_253, %reduce_max3A_254 [1] : vector<8x640xf32> to vector<8xf32>
      %broadcast_in_dim3A_256 = vector.shape_cast %reduce_max3A_255 : vector<8xf32> to vector<8x1xf32>
      %jit3A_257 = arith.constant 0xFF800000 : f32
      %broadcast_in_dim3A_258 = vector.broadcast %jit3A_257 : f32 to vector<8x640xf32>
      %select_n3A_259 = arith.select %and3A_250, %get3A_213, %broadcast_in_dim3A_258 : vector<8x640xi1>, vector<8x640xf32>
      %reduce_max3A_260 = arith.constant dense<0xFF800000> : vector<8xf32>
      %reduce_max3A_261 = vector.multi_reduction <maximumf>, %select_n3A_259, %reduce_max3A_260 [1] : vector<8x640xf32> to vector<8xf32>
      %broadcast_in_dim3A_262 = vector.shape_cast %reduce_max3A_261 : vector<8xf32> to vector<8x1xf32>
      %jit3A_263 = arith.constant 0xFF800000 : f32
      %broadcast_in_dim3A_264 = vector.broadcast %jit3A_263 : f32 to vector<8x640xf32>
      %select_n3A_265 = arith.select %and3A_250, %get3A_218, %broadcast_in_dim3A_264 : vector<8x640xi1>, vector<8x640xf32>
      %reduce_max3A_266 = arith.constant dense<0xFF800000> : vector<8xf32>
      %reduce_max3A_267 = vector.multi_reduction <maximumf>, %select_n3A_265, %reduce_max3A_266 [1] : vector<8x640xf32> to vector<8xf32>
      %broadcast_in_dim3A_268 = vector.shape_cast %reduce_max3A_267 : vector<8xf32> to vector<8x1xf32>
      %jit3A_269 = arith.constant 0xFF800000 : f32
      %broadcast_in_dim3A_270 = vector.broadcast %jit3A_269 : f32 to vector<8x640xf32>
      %select_n3A_271 = arith.select %and3A_250, %get3A_223, %broadcast_in_dim3A_270 : vector<8x640xi1>, vector<8x640xf32>
      %reduce_max3A_272 = arith.constant dense<0xFF800000> : vector<8xf32>
      %reduce_max3A_273 = vector.multi_reduction <maximumf>, %select_n3A_271, %reduce_max3A_272 [1] : vector<8x640xf32> to vector<8xf32>
      %broadcast_in_dim3A_274 = vector.shape_cast %reduce_max3A_273 : vector<8xf32> to vector<8x1xf32>
      %jit3A_275 = arith.constant 0xFF800000 : f32
      %broadcast_in_dim3A_276 = vector.broadcast %jit3A_275 : f32 to vector<8x640xf32>
      %select_n3A_277 = arith.select %and3A_250, %get3A_228, %broadcast_in_dim3A_276 : vector<8x640xi1>, vector<8x640xf32>
      %reduce_max3A_278 = arith.constant dense<0xFF800000> : vector<8xf32>
      %reduce_max3A_279 = vector.multi_reduction <maximumf>, %select_n3A_277, %reduce_max3A_278 [1] : vector<8x640xf32> to vector<8xf32>
      %broadcast_in_dim3A_280 = vector.shape_cast %reduce_max3A_279 : vector<8xf32> to vector<8x1xf32>
      %sub3A_281 = arith.subf %broadcast_in_dim3A_268, %broadcast_in_dim3A_256 : vector<8x1xf32>
      %sub3A_282 = arith.subf %broadcast_in_dim3A_274, %broadcast_in_dim3A_262 : vector<8x1xf32>
      %mul3A_283 = arith.mulf %sub3A_281, %sub3A_282 : vector<8x1xf32>
      %max3A = vector.broadcast %broadcast_in_dim3A_256 : vector<8x1xf32> to vector<8x640xf32>
      %max3A_284 = arith.maximumf %max3A, %get3A_208 : vector<8x640xf32>
      %max3A_285 = vector.broadcast %broadcast_in_dim3A_262 : vector<8x1xf32> to vector<8x640xf32>
      %max3A_286 = arith.maximumf %max3A_285, %get3A_213 : vector<8x640xf32>
      %min3A_287 = vector.broadcast %broadcast_in_dim3A_268 : vector<8x1xf32> to vector<8x640xf32>
      %min3A_288 = arith.minimumf %min3A_287, %get3A_218 : vector<8x640xf32>
      %min3A_289 = vector.broadcast %broadcast_in_dim3A_274 : vector<8x1xf32> to vector<8x640xf32>
      %min3A_290 = arith.minimumf %min3A_289, %get3A_223 : vector<8x640xf32>
      %sub3A_291 = arith.subf %min3A_288, %max3A_284 : vector<8x640xf32>
      %max3A_292 = arith.constant 0.000000e+00 : f32
      %max3A_293 = vector.broadcast %max3A_292 : f32 to vector<8x640xf32>
      %max3A_294 = arith.maximumf %sub3A_291, %max3A_293 : vector<8x640xf32>
      %sub3A_295 = arith.subf %min3A_290, %max3A_286 : vector<8x640xf32>
      %max3A_296 = arith.constant 0.000000e+00 : f32
      %max3A_297 = vector.broadcast %max3A_296 : f32 to vector<8x640xf32>
      %max3A_298 = arith.maximumf %sub3A_295, %max3A_297 : vector<8x640xf32>
      %mul3A_299 = arith.mulf %max3A_294, %max3A_298 : vector<8x640xf32>
      %add3A_300 = vector.broadcast %mul3A_283 : vector<8x1xf32> to vector<8x640xf32>
      %add3A_301 = arith.addf %add3A_300, %mul3A : vector<8x640xf32>
      %sub3A_302 = arith.subf %add3A_301, %mul3A_299 : vector<8x640xf32>
      %max3A_303 = arith.constant 9.99999971E-10 : f32
      %max3A_304 = vector.broadcast %max3A_303 : f32 to vector<8x640xf32>
      %max3A_305 = arith.maximumf %sub3A_302, %max3A_304 : vector<8x640xf32>
      %div3A = arith.divf %mul3A_299, %max3A_305 : vector<8x640xf32>
      %gt3A_306 = arith.constant 4.500000e-01 : f32
      %gt3A_307 = vector.broadcast %gt3A_306 : f32 to vector<8x640xf32>
      %gt3A_308 = arith.cmpf ogt, %div3A, %gt3A_307 : vector<8x640xf32>
      %and3A_309 = vector.broadcast %gt3A_240 : vector<8x1xi1> to vector<8x640xi1>
      %and3A_310 = arith.andi %gt3A_308, %and3A_309 : vector<8x640xi1>
      %or3A_311 = arith.ori %and3A_310, %and3A_250 : vector<8x640xi1>
      %jit3A_312 = arith.constant -1.000000e+30 : f32
      %broadcast_in_dim3A_313 = vector.broadcast %jit3A_312 : f32 to vector<8x640xf32>
      %select_n3A_314 = arith.select %or3A_311, %broadcast_in_dim3A_313, %scan3A_196 : vector<8x640xi1>, vector<8x640xf32>
      %eq3A_315 = vector.broadcast %scan3A_195 : i32 to vector<8x128xi32>
      %eq3A_316 = arith.cmpi eq, %iota3A_115, %eq3A_315 : vector<8x128xi32>
      %jit3A_317 = arith.constant 0.000000e+00 : f32
      %broadcast_in_dim3A_318 = vector.broadcast %jit3A_317 : f32 to vector<8x1xf32>
      %select_n3A_319 = arith.select %gt3A_240, %broadcast_in_dim3A_256, %broadcast_in_dim3A_318 : vector<8x1xi1>, vector<8x1xf32>
      %broadcast_in_dim3A_320 = vector.shape_cast %select_n3A_319 : vector<8x1xf32> to vector<8x1xf32>
      %broadcast_in_dim3A_321 = vector.broadcast %broadcast_in_dim3A_320 : vector<8x1xf32> to vector<8x128xf32>
      %select_n3A_322 = arith.select %eq3A_316, %broadcast_in_dim3A_321, %scan3A_197 : vector<8x128xi1>, vector<8x128xf32>
      %jit3A_323 = arith.constant 0.000000e+00 : f32
      %broadcast_in_dim3A_324 = vector.broadcast %jit3A_323 : f32 to vector<8x1xf32>
      %select_n3A_325 = arith.select %gt3A_240, %broadcast_in_dim3A_262, %broadcast_in_dim3A_324 : vector<8x1xi1>, vector<8x1xf32>
      %broadcast_in_dim3A_326 = vector.shape_cast %select_n3A_325 : vector<8x1xf32> to vector<8x1xf32>
      %broadcast_in_dim3A_327 = vector.broadcast %broadcast_in_dim3A_326 : vector<8x1xf32> to vector<8x128xf32>
      %select_n3A_328 = arith.select %eq3A_316, %broadcast_in_dim3A_327, %scan3A_198 : vector<8x128xi1>, vector<8x128xf32>
      %jit3A_329 = arith.constant 0.000000e+00 : f32
      %broadcast_in_dim3A_330 = vector.broadcast %jit3A_329 : f32 to vector<8x1xf32>
      %select_n3A_331 = arith.select %gt3A_240, %broadcast_in_dim3A_268, %broadcast_in_dim3A_330 : vector<8x1xi1>, vector<8x1xf32>
      %broadcast_in_dim3A_332 = vector.shape_cast %select_n3A_331 : vector<8x1xf32> to vector<8x1xf32>
      %broadcast_in_dim3A_333 = vector.broadcast %broadcast_in_dim3A_332 : vector<8x1xf32> to vector<8x128xf32>
      %select_n3A_334 = arith.select %eq3A_316, %broadcast_in_dim3A_333, %scan3A_199 : vector<8x128xi1>, vector<8x128xf32>
      %jit3A_335 = arith.constant 0.000000e+00 : f32
      %broadcast_in_dim3A_336 = vector.broadcast %jit3A_335 : f32 to vector<8x1xf32>
      %select_n3A_337 = arith.select %gt3A_240, %broadcast_in_dim3A_274, %broadcast_in_dim3A_336 : vector<8x1xi1>, vector<8x1xf32>
      %broadcast_in_dim3A_338 = vector.shape_cast %select_n3A_337 : vector<8x1xf32> to vector<8x1xf32>
      %broadcast_in_dim3A_339 = vector.broadcast %broadcast_in_dim3A_338 : vector<8x1xf32> to vector<8x128xf32>
      %select_n3A_340 = arith.select %eq3A_316, %broadcast_in_dim3A_339, %scan3A_200 : vector<8x128xi1>, vector<8x128xf32>
      %jit3A_341 = arith.constant -1.000000e+00 : f32
      %broadcast_in_dim3A_342 = vector.broadcast %jit3A_341 : f32 to vector<8x1xf32>
      %select_n3A_343 = arith.select %gt3A_240, %broadcast_in_dim3A_237, %broadcast_in_dim3A_342 : vector<8x1xi1>, vector<8x1xf32>
      %broadcast_in_dim3A_344 = vector.shape_cast %select_n3A_343 : vector<8x1xf32> to vector<8x1xf32>
      %broadcast_in_dim3A_345 = vector.broadcast %broadcast_in_dim3A_344 : vector<8x1xf32> to vector<8x128xf32>
      %select_n3A_346 = arith.select %eq3A_316, %broadcast_in_dim3A_345, %scan3A_201 : vector<8x128xi1>, vector<8x128xf32>
      %jit3A_347 = arith.constant -1.000000e+00 : f32
      %broadcast_in_dim3A_348 = vector.broadcast %jit3A_347 : f32 to vector<8x1xf32>
      %select_n3A_349 = arith.select %gt3A_240, %broadcast_in_dim3A_280, %broadcast_in_dim3A_348 : vector<8x1xi1>, vector<8x1xf32>
      %broadcast_in_dim3A_350 = vector.shape_cast %select_n3A_349 : vector<8x1xf32> to vector<8x1xf32>
      %broadcast_in_dim3A_351 = vector.broadcast %broadcast_in_dim3A_350 : vector<8x1xf32> to vector<8x128xf32>
      %select_n3A_352 = arith.select %eq3A_316, %broadcast_in_dim3A_351, %scan3A_202 : vector<8x128xi1>, vector<8x128xf32>
      %jit3A_353 = arith.constant -1.000000e+00 : f32
      %broadcast_in_dim3A_354 = vector.broadcast %jit3A_353 : f32 to vector<8x1xf32>
      %select_n3A_355 = arith.select %gt3A_240, %broadcast_in_dim3A_247, %broadcast_in_dim3A_354 : vector<8x1xi1>, vector<8x1xf32>
      %broadcast_in_dim3A_356 = vector.shape_cast %select_n3A_355 : vector<8x1xf32> to vector<8x1xf32>
      %broadcast_in_dim3A_357 = vector.broadcast %broadcast_in_dim3A_356 : vector<8x1xf32> to vector<8x128xf32>
      %select_n3A_358 = arith.select %eq3A_316, %broadcast_in_dim3A_357, %scan3A_203 : vector<8x128xi1>, vector<8x128xf32>
      scf.yield %select_n3A_314, %select_n3A_322, %select_n3A_328, %select_n3A_334, %select_n3A_340, %select_n3A_346, %select_n3A_352, %select_n3A_358 : vector<8x640xf32>, vector<8x128xf32>, vector<8x128xf32>, vector<8x128xf32>, vector<8x128xf32>, vector<8x128xf32>, vector<8x128xf32>, vector<8x128xf32>
    }
    %scan3A_125 = arith.constant 100 : i32
    %ge3A_126 = arith.constant 0.000000e+00 : f32
    %ge3A_127 = vector.broadcast %ge3A_126 : f32 to vector<8x128xf32>
    %ge3A_128 = arith.cmpf oge, %scan3A_124#7, %ge3A_127 : vector<8x128xf32>
    %convert_element_type3A = arith.extui %ge3A_128 : vector<8x128xi1> to vector<8x128xi32>
    %reduce_sum3A = arith.constant dense<0> : vector<8xi32>
    %reduce_sum3A_129 = vector.multi_reduction <add>, %convert_element_type3A, %reduce_sum3A [1] : vector<8x128xi32> to vector<8xi32>
    %broadcast_in_dim3A_130 = vector.shape_cast %reduce_sum3A_129 : vector<8xi32> to vector<8x1xi32>
    %ge3A_131 = arith.constant 100 : i32
    %ge3A_132 = vector.broadcast %ge3A_131 : i32 to vector<8x1xi32>
    %ge3A_133 = arith.cmpi sge, %broadcast_in_dim3A_130, %ge3A_132 : vector<8x1xi32>
    %eq3A = arith.cmpi eq, %add3A_109, %add3A_110 : vector<8x1xi32>
    %not3A = arith.constant dense<true> : vector<8x1xi1>
    %not3A_134 = arith.xori %ge3A_133, %not3A : vector<8x1xi1>
    %not3A_135 = arith.constant dense<true> : vector<8x1xi1>
    %not3A_136 = arith.xori %eq3A, %not3A_135 : vector<8x1xi1>
    %and3A_137 = arith.andi %not3A_134, %not3A_136 : vector<8x1xi1>
    %or3A_138 = arith.ori %or3A_114, %and3A_137 : vector<8x1xi1>
    %reduce_or3A = arith.constant 1.000000e+00 : f32
    %reduce_or3A_139 = arith.constant 0.000000e+00 : f32
    %reduce_or3A_140 = vector.broadcast %reduce_or3A : f32 to vector<8x1xf32>
    %reduce_or3A_141 = vector.broadcast %reduce_or3A_139 : f32 to vector<8x1xf32>
    %reduce_or3A_142 = arith.select %or3A_138, %reduce_or3A_140, %reduce_or3A_141 : vector<8x1xi1>, vector<8x1xf32>
    %reduce_or3A_143 = vector.shape_cast %reduce_or3A_142 : vector<8x1xf32> to vector<1x8x1xf32>
    %reduce_or3A_144 = arith.constant dense<0xFF800000> : vector<1xf32>
    %reduce_or3A_145 = vector.multi_reduction <maximumf>, %reduce_or3A_143, %reduce_or3A_144 [1, 2] : vector<1x8x1xf32> to vector<1xf32>
    %reduce_or3A_146 = vector.shape_cast %reduce_or3A_145 : vector<1xf32> to vector<1x1x1xf32>
    %reduce_or3A_147 = vector.extract %reduce_or3A_146[0, 0, 0] : f32 from vector<1x1x1xf32>
    %reduce_or3A_148 = arith.constant 0.000000e+00 : f32
    %reduce_or3A_149 = arith.cmpf ogt, %reduce_or3A_147, %reduce_or3A_148 : f32
    %convert_element_type3A_150 = arith.extui %reduce_or3A_149 : i1 to i32
    %cond3A = arith.constant 0 : i32
    %cond3A_151 = arith.cmpi ne, %convert_element_type3A_150, %cond3A : i32
    %cond3A_152:7 = scf.if %cond3A_151 -> (vector<8x128xf32>, vector<8x128xf32>, vector<8x128xf32>, vector<8x128xf32>, vector<8x128xf32>, vector<8x128xf32>, vector<8x128xf32>) {
      %get3A_195 = arith.constant 0 : index
      %get3A_196 = arith.constant 0 : index
      %get3A_197 = vector.load %arg3[%get3A_195, %get3A_196] : memref<8x5056xf32, #tpu.memory_space<vmem>>, vector<8x5056xf32>
      %ge3A_198 = arith.constant 2.500000e-01 : f32
      %ge3A_199 = vector.broadcast %ge3A_198 : f32 to vector<8x5056xf32>
      %ge3A_200 = arith.cmpf oge, %get3A_197, %ge3A_199 : vector<8x5056xf32>
      %get3A_201 = arith.constant 0 : index
      %get3A_202 = arith.constant 0 : index
      %get3A_203 = vector.load %arg3[%get3A_201, %get3A_202] : memref<8x5056xf32, #tpu.memory_space<vmem>>, vector<8x5056xf32>
      %jit3A_204 = arith.constant -1.000000e+30 : f32
      %broadcast_in_dim3A_205 = vector.broadcast %jit3A_204 : f32 to vector<8x5056xf32>
      %select_n3A_206 = arith.select %ge3A_200, %get3A_203, %broadcast_in_dim3A_205 : vector<8x5056xi1>, vector<8x5056xf32>
      %iota3A_207 = tpu.iota {dimensions = array<i32: 1>} : vector<8x128xi32>
      %broadcast_in_dim3A_208 = arith.constant 0.000000e+00 : f32
      %broadcast_in_dim3A_209 = vector.broadcast %broadcast_in_dim3A_208 : f32 to vector<8x128xf32>
      %sub3A_210 = arith.constant 1.000000e+00 : f32
      %sub3A_211 = vector.broadcast %sub3A_210 : f32 to vector<8x128xf32>
      %sub3A_212 = arith.subf %broadcast_in_dim3A_209, %sub3A_211 : vector<8x128xf32>
      %scan3A_213 = arith.constant 0 : i32
      %scan3A_214 = arith.constant 100 : i32
      %scan3A_215 = arith.addi %scan3A_213, %scan3A_214 : i32
      %scan3A_216 = arith.constant 1 : i32
      %scan3A_217:8 = scf.for %scan3A_219 = %scan3A_213 to %scan3A_215 step %scan3A_216 iter_args(%scan3A_220 = %select_n3A_206, %scan3A_221 = %broadcast_in_dim3A_209, %scan3A_222 = %broadcast_in_dim3A_209, %scan3A_223 = %broadcast_in_dim3A_209, %scan3A_224 = %broadcast_in_dim3A_209, %scan3A_225 = %broadcast_in_dim3A_209, %scan3A_226 = %broadcast_in_dim3A_209, %scan3A_227 = %sub3A_212) -> (vector<8x5056xf32>, vector<8x128xf32>, vector<8x128xf32>, vector<8x128xf32>, vector<8x128xf32>, vector<8x128xf32>, vector<8x128xf32>, vector<8x128xf32>)  : i32 {
        %iota3A_228 = tpu.iota {dimensions = array<i32: 1>} : vector<8x5056xi32>
        %get3A_229 = arith.constant 0 : index
        %get3A_230 = arith.constant 0 : index
        %get3A_231 = arith.constant 0 : index
        %get3A_232 = vector.load %arg2[%get3A_229, %get3A_230, %get3A_231] : memref<4x8x5056xf32, #tpu.memory_space<vmem>>, vector<1x8x5056xf32>
        %get3A_233 = vector.shape_cast %get3A_232 : vector<1x8x5056xf32> to vector<8x5056xf32>
        %get3A_234 = arith.constant 1 : index
        %get3A_235 = arith.constant 0 : index
        %get3A_236 = arith.constant 0 : index
        %get3A_237 = vector.load %arg2[%get3A_234, %get3A_235, %get3A_236] : memref<4x8x5056xf32, #tpu.memory_space<vmem>>, vector<1x8x5056xf32>
        %get3A_238 = vector.shape_cast %get3A_237 : vector<1x8x5056xf32> to vector<8x5056xf32>
        %get3A_239 = arith.constant 2 : index
        %get3A_240 = arith.constant 0 : index
        %get3A_241 = arith.constant 0 : index
        %get3A_242 = vector.load %arg2[%get3A_239, %get3A_240, %get3A_241] : memref<4x8x5056xf32, #tpu.memory_space<vmem>>, vector<1x8x5056xf32>
        %get3A_243 = vector.shape_cast %get3A_242 : vector<1x8x5056xf32> to vector<8x5056xf32>
        %get3A_244 = arith.constant 3 : index
        %get3A_245 = arith.constant 0 : index
        %get3A_246 = arith.constant 0 : index
        %get3A_247 = vector.load %arg2[%get3A_244, %get3A_245, %get3A_246] : memref<4x8x5056xf32, #tpu.memory_space<vmem>>, vector<1x8x5056xf32>
        %get3A_248 = vector.shape_cast %get3A_247 : vector<1x8x5056xf32> to vector<8x5056xf32>
        %get3A_249 = arith.constant 0 : index
        %get3A_250 = arith.constant 0 : index
        %get3A_251 = vector.load %arg4[%get3A_249, %get3A_250] : memref<8x5056xf32, #tpu.memory_space<vmem>>, vector<8x5056xf32>
        %convert_element_type3A_252 = arith.sitofp %iota3A_228 : vector<8x5056xi32> to vector<8x5056xf32>
        %sub3A_253 = arith.subf %get3A_243, %get3A_233 : vector<8x5056xf32>
        %sub3A_254 = arith.subf %get3A_248, %get3A_238 : vector<8x5056xf32>
        %mul3A = arith.mulf %sub3A_253, %sub3A_254 : vector<8x5056xf32>
        %reduce_max3A = arith.constant dense<0xFF800000> : vector<8xf32>
        %reduce_max3A_255 = vector.multi_reduction <maximumf>, %scan3A_220, %reduce_max3A [1] : vector<8x5056xf32> to vector<8xf32>
        %broadcast_in_dim3A_256 = vector.shape_cast %reduce_max3A_255 : vector<8xf32> to vector<8x1xf32>
        %gt3A_257 = arith.constant -5.000000e+29 : f32
        %gt3A_258 = vector.broadcast %gt3A_257 : f32 to vector<8x1xf32>
        %gt3A_259 = arith.cmpf ogt, %broadcast_in_dim3A_256, %gt3A_258 : vector<8x1xf32>
        %eq3A_260 = vector.broadcast %broadcast_in_dim3A_256 : vector<8x1xf32> to vector<8x5056xf32>
        %eq3A_261 = arith.cmpf oeq, %scan3A_220, %eq3A_260 : vector<8x5056xf32>
        %jit3A_262 = arith.constant 1.000000e+09 : f32
        %broadcast_in_dim3A_263 = vector.broadcast %jit3A_262 : f32 to vector<8x5056xf32>
        %select_n3A_264 = arith.select %eq3A_261, %convert_element_type3A_252, %broadcast_in_dim3A_263 : vector<8x5056xi1>, vector<8x5056xf32>
        %reduce_min3A = arith.constant dense<0x7F800000> : vector<8xf32>
        %reduce_min3A_265 = vector.multi_reduction <minimumf>, %select_n3A_264, %reduce_min3A [1] : vector<8x5056xf32> to vector<8xf32>
        %broadcast_in_dim3A_266 = vector.shape_cast %reduce_min3A_265 : vector<8xf32> to vector<8x1xf32>
        %eq3A_267 = vector.broadcast %broadcast_in_dim3A_266 : vector<8x1xf32> to vector<8x5056xf32>
        %eq3A_268 = arith.cmpf oeq, %convert_element_type3A_252, %eq3A_267 : vector<8x5056xf32>
        %and3A_269 = arith.andi %eq3A_268, %eq3A_261 : vector<8x5056xi1>
        %jit3A_270 = arith.constant 0xFF800000 : f32
        %broadcast_in_dim3A_271 = vector.broadcast %jit3A_270 : f32 to vector<8x5056xf32>
        %select_n3A_272 = arith.select %and3A_269, %get3A_233, %broadcast_in_dim3A_271 : vector<8x5056xi1>, vector<8x5056xf32>
        %reduce_max3A_273 = arith.constant dense<0xFF800000> : vector<8xf32>
        %reduce_max3A_274 = vector.multi_reduction <maximumf>, %select_n3A_272, %reduce_max3A_273 [1] : vector<8x5056xf32> to vector<8xf32>
        %broadcast_in_dim3A_275 = vector.shape_cast %reduce_max3A_274 : vector<8xf32> to vector<8x1xf32>
        %jit3A_276 = arith.constant 0xFF800000 : f32
        %broadcast_in_dim3A_277 = vector.broadcast %jit3A_276 : f32 to vector<8x5056xf32>
        %select_n3A_278 = arith.select %and3A_269, %get3A_238, %broadcast_in_dim3A_277 : vector<8x5056xi1>, vector<8x5056xf32>
        %reduce_max3A_279 = arith.constant dense<0xFF800000> : vector<8xf32>
        %reduce_max3A_280 = vector.multi_reduction <maximumf>, %select_n3A_278, %reduce_max3A_279 [1] : vector<8x5056xf32> to vector<8xf32>
        %broadcast_in_dim3A_281 = vector.shape_cast %reduce_max3A_280 : vector<8xf32> to vector<8x1xf32>
        %jit3A_282 = arith.constant 0xFF800000 : f32
        %broadcast_in_dim3A_283 = vector.broadcast %jit3A_282 : f32 to vector<8x5056xf32>
        %select_n3A_284 = arith.select %and3A_269, %get3A_243, %broadcast_in_dim3A_283 : vector<8x5056xi1>, vector<8x5056xf32>
        %reduce_max3A_285 = arith.constant dense<0xFF800000> : vector<8xf32>
        %reduce_max3A_286 = vector.multi_reduction <maximumf>, %select_n3A_284, %reduce_max3A_285 [1] : vector<8x5056xf32> to vector<8xf32>
        %broadcast_in_dim3A_287 = vector.shape_cast %reduce_max3A_286 : vector<8xf32> to vector<8x1xf32>
        %jit3A_288 = arith.constant 0xFF800000 : f32
        %broadcast_in_dim3A_289 = vector.broadcast %jit3A_288 : f32 to vector<8x5056xf32>
        %select_n3A_290 = arith.select %and3A_269, %get3A_248, %broadcast_in_dim3A_289 : vector<8x5056xi1>, vector<8x5056xf32>
        %reduce_max3A_291 = arith.constant dense<0xFF800000> : vector<8xf32>
        %reduce_max3A_292 = vector.multi_reduction <maximumf>, %select_n3A_290, %reduce_max3A_291 [1] : vector<8x5056xf32> to vector<8xf32>
        %broadcast_in_dim3A_293 = vector.shape_cast %reduce_max3A_292 : vector<8xf32> to vector<8x1xf32>
        %jit3A_294 = arith.constant 0xFF800000 : f32
        %broadcast_in_dim3A_295 = vector.broadcast %jit3A_294 : f32 to vector<8x5056xf32>
        %select_n3A_296 = arith.select %and3A_269, %get3A_251, %broadcast_in_dim3A_295 : vector<8x5056xi1>, vector<8x5056xf32>
        %reduce_max3A_297 = arith.constant dense<0xFF800000> : vector<8xf32>
        %reduce_max3A_298 = vector.multi_reduction <maximumf>, %select_n3A_296, %reduce_max3A_297 [1] : vector<8x5056xf32> to vector<8xf32>
        %broadcast_in_dim3A_299 = vector.shape_cast %reduce_max3A_298 : vector<8xf32> to vector<8x1xf32>
        %sub3A_300 = arith.subf %broadcast_in_dim3A_287, %broadcast_in_dim3A_275 : vector<8x1xf32>
        %sub3A_301 = arith.subf %broadcast_in_dim3A_293, %broadcast_in_dim3A_281 : vector<8x1xf32>
        %mul3A_302 = arith.mulf %sub3A_300, %sub3A_301 : vector<8x1xf32>
        %max3A = vector.broadcast %broadcast_in_dim3A_275 : vector<8x1xf32> to vector<8x5056xf32>
        %max3A_303 = arith.maximumf %max3A, %get3A_233 : vector<8x5056xf32>
        %max3A_304 = vector.broadcast %broadcast_in_dim3A_281 : vector<8x1xf32> to vector<8x5056xf32>
        %max3A_305 = arith.maximumf %max3A_304, %get3A_238 : vector<8x5056xf32>
        %min3A_306 = vector.broadcast %broadcast_in_dim3A_287 : vector<8x1xf32> to vector<8x5056xf32>
        %min3A_307 = arith.minimumf %min3A_306, %get3A_243 : vector<8x5056xf32>
        %min3A_308 = vector.broadcast %broadcast_in_dim3A_293 : vector<8x1xf32> to vector<8x5056xf32>
        %min3A_309 = arith.minimumf %min3A_308, %get3A_248 : vector<8x5056xf32>
        %sub3A_310 = arith.subf %min3A_307, %max3A_303 : vector<8x5056xf32>
        %max3A_311 = arith.constant 0.000000e+00 : f32
        %max3A_312 = vector.broadcast %max3A_311 : f32 to vector<8x5056xf32>
        %max3A_313 = arith.maximumf %sub3A_310, %max3A_312 : vector<8x5056xf32>
        %sub3A_314 = arith.subf %min3A_309, %max3A_305 : vector<8x5056xf32>
        %max3A_315 = arith.constant 0.000000e+00 : f32
        %max3A_316 = vector.broadcast %max3A_315 : f32 to vector<8x5056xf32>
        %max3A_317 = arith.maximumf %sub3A_314, %max3A_316 : vector<8x5056xf32>
        %mul3A_318 = arith.mulf %max3A_313, %max3A_317 : vector<8x5056xf32>
        %add3A_319 = vector.broadcast %mul3A_302 : vector<8x1xf32> to vector<8x5056xf32>
        %add3A_320 = arith.addf %add3A_319, %mul3A : vector<8x5056xf32>
        %sub3A_321 = arith.subf %add3A_320, %mul3A_318 : vector<8x5056xf32>
        %max3A_322 = arith.constant 9.99999971E-10 : f32
        %max3A_323 = vector.broadcast %max3A_322 : f32 to vector<8x5056xf32>
        %max3A_324 = arith.maximumf %sub3A_321, %max3A_323 : vector<8x5056xf32>
        %div3A = arith.divf %mul3A_318, %max3A_324 : vector<8x5056xf32>
        %gt3A_325 = arith.constant 4.500000e-01 : f32
        %gt3A_326 = vector.broadcast %gt3A_325 : f32 to vector<8x5056xf32>
        %gt3A_327 = arith.cmpf ogt, %div3A, %gt3A_326 : vector<8x5056xf32>
        %and3A_328 = vector.broadcast %gt3A_259 : vector<8x1xi1> to vector<8x5056xi1>
        %and3A_329 = arith.andi %gt3A_327, %and3A_328 : vector<8x5056xi1>
        %or3A_330 = arith.ori %and3A_329, %and3A_269 : vector<8x5056xi1>
        %jit3A_331 = arith.constant -1.000000e+30 : f32
        %broadcast_in_dim3A_332 = vector.broadcast %jit3A_331 : f32 to vector<8x5056xf32>
        %select_n3A_333 = arith.select %or3A_330, %broadcast_in_dim3A_332, %scan3A_220 : vector<8x5056xi1>, vector<8x5056xf32>
        %eq3A_334 = vector.broadcast %scan3A_219 : i32 to vector<8x128xi32>
        %eq3A_335 = arith.cmpi eq, %iota3A_207, %eq3A_334 : vector<8x128xi32>
        %jit3A_336 = arith.constant 0.000000e+00 : f32
        %broadcast_in_dim3A_337 = vector.broadcast %jit3A_336 : f32 to vector<8x1xf32>
        %select_n3A_338 = arith.select %gt3A_259, %broadcast_in_dim3A_275, %broadcast_in_dim3A_337 : vector<8x1xi1>, vector<8x1xf32>
        %broadcast_in_dim3A_339 = vector.shape_cast %select_n3A_338 : vector<8x1xf32> to vector<8x1xf32>
        %broadcast_in_dim3A_340 = vector.broadcast %broadcast_in_dim3A_339 : vector<8x1xf32> to vector<8x128xf32>
        %select_n3A_341 = arith.select %eq3A_335, %broadcast_in_dim3A_340, %scan3A_221 : vector<8x128xi1>, vector<8x128xf32>
        %jit3A_342 = arith.constant 0.000000e+00 : f32
        %broadcast_in_dim3A_343 = vector.broadcast %jit3A_342 : f32 to vector<8x1xf32>
        %select_n3A_344 = arith.select %gt3A_259, %broadcast_in_dim3A_281, %broadcast_in_dim3A_343 : vector<8x1xi1>, vector<8x1xf32>
        %broadcast_in_dim3A_345 = vector.shape_cast %select_n3A_344 : vector<8x1xf32> to vector<8x1xf32>
        %broadcast_in_dim3A_346 = vector.broadcast %broadcast_in_dim3A_345 : vector<8x1xf32> to vector<8x128xf32>
        %select_n3A_347 = arith.select %eq3A_335, %broadcast_in_dim3A_346, %scan3A_222 : vector<8x128xi1>, vector<8x128xf32>
        %jit3A_348 = arith.constant 0.000000e+00 : f32
        %broadcast_in_dim3A_349 = vector.broadcast %jit3A_348 : f32 to vector<8x1xf32>
        %select_n3A_350 = arith.select %gt3A_259, %broadcast_in_dim3A_287, %broadcast_in_dim3A_349 : vector<8x1xi1>, vector<8x1xf32>
        %broadcast_in_dim3A_351 = vector.shape_cast %select_n3A_350 : vector<8x1xf32> to vector<8x1xf32>
        %broadcast_in_dim3A_352 = vector.broadcast %broadcast_in_dim3A_351 : vector<8x1xf32> to vector<8x128xf32>
        %select_n3A_353 = arith.select %eq3A_335, %broadcast_in_dim3A_352, %scan3A_223 : vector<8x128xi1>, vector<8x128xf32>
        %jit3A_354 = arith.constant 0.000000e+00 : f32
        %broadcast_in_dim3A_355 = vector.broadcast %jit3A_354 : f32 to vector<8x1xf32>
        %select_n3A_356 = arith.select %gt3A_259, %broadcast_in_dim3A_293, %broadcast_in_dim3A_355 : vector<8x1xi1>, vector<8x1xf32>
        %broadcast_in_dim3A_357 = vector.shape_cast %select_n3A_356 : vector<8x1xf32> to vector<8x1xf32>
        %broadcast_in_dim3A_358 = vector.broadcast %broadcast_in_dim3A_357 : vector<8x1xf32> to vector<8x128xf32>
        %select_n3A_359 = arith.select %eq3A_335, %broadcast_in_dim3A_358, %scan3A_224 : vector<8x128xi1>, vector<8x128xf32>
        %jit3A_360 = arith.constant -1.000000e+00 : f32
        %broadcast_in_dim3A_361 = vector.broadcast %jit3A_360 : f32 to vector<8x1xf32>
        %select_n3A_362 = arith.select %gt3A_259, %broadcast_in_dim3A_256, %broadcast_in_dim3A_361 : vector<8x1xi1>, vector<8x1xf32>
        %broadcast_in_dim3A_363 = vector.shape_cast %select_n3A_362 : vector<8x1xf32> to vector<8x1xf32>
        %broadcast_in_dim3A_364 = vector.broadcast %broadcast_in_dim3A_363 : vector<8x1xf32> to vector<8x128xf32>
        %select_n3A_365 = arith.select %eq3A_335, %broadcast_in_dim3A_364, %scan3A_225 : vector<8x128xi1>, vector<8x128xf32>
        %jit3A_366 = arith.constant -1.000000e+00 : f32
        %broadcast_in_dim3A_367 = vector.broadcast %jit3A_366 : f32 to vector<8x1xf32>
        %select_n3A_368 = arith.select %gt3A_259, %broadcast_in_dim3A_299, %broadcast_in_dim3A_367 : vector<8x1xi1>, vector<8x1xf32>
        %broadcast_in_dim3A_369 = vector.shape_cast %select_n3A_368 : vector<8x1xf32> to vector<8x1xf32>
        %broadcast_in_dim3A_370 = vector.broadcast %broadcast_in_dim3A_369 : vector<8x1xf32> to vector<8x128xf32>
        %select_n3A_371 = arith.select %eq3A_335, %broadcast_in_dim3A_370, %scan3A_226 : vector<8x128xi1>, vector<8x128xf32>
        %jit3A_372 = arith.constant -1.000000e+00 : f32
        %broadcast_in_dim3A_373 = vector.broadcast %jit3A_372 : f32 to vector<8x1xf32>
        %select_n3A_374 = arith.select %gt3A_259, %broadcast_in_dim3A_266, %broadcast_in_dim3A_373 : vector<8x1xi1>, vector<8x1xf32>
        %broadcast_in_dim3A_375 = vector.shape_cast %select_n3A_374 : vector<8x1xf32> to vector<8x1xf32>
        %broadcast_in_dim3A_376 = vector.broadcast %broadcast_in_dim3A_375 : vector<8x1xf32> to vector<8x128xf32>
        %select_n3A_377 = arith.select %eq3A_335, %broadcast_in_dim3A_376, %scan3A_227 : vector<8x128xi1>, vector<8x128xf32>
        scf.yield %select_n3A_333, %select_n3A_341, %select_n3A_347, %select_n3A_353, %select_n3A_359, %select_n3A_365, %select_n3A_371, %select_n3A_377 : vector<8x5056xf32>, vector<8x128xf32>, vector<8x128xf32>, vector<8x128xf32>, vector<8x128xf32>, vector<8x128xf32>, vector<8x128xf32>, vector<8x128xf32>
      }
      %scan3A_218 = arith.constant 100 : i32
      scf.yield %scan3A_217#1, %scan3A_217#2, %scan3A_217#3, %scan3A_217#4, %scan3A_217#5, %scan3A_217#6, %scan3A_217#7 : vector<8x128xf32>, vector<8x128xf32>, vector<8x128xf32>, vector<8x128xf32>, vector<8x128xf32>, vector<8x128xf32>, vector<8x128xf32>
    } else {
      scf.yield %scan3A_124#1, %scan3A_124#2, %scan3A_124#3, %scan3A_124#4, %scan3A_124#5, %scan3A_124#6, %scan3A_124#7 : vector<8x128xf32>, vector<8x128xf32>, vector<8x128xf32>, vector<8x128xf32>, vector<8x128xf32>, vector<8x128xf32>, vector<8x128xf32>
    }
    %swap3A = arith.constant 0 : index
    %swap3A_153 = arith.constant 0 : index
    %swap3A_154 = arith.constant 0 : index
    %swap3A_155 = vector.load %arg5[%swap3A, %swap3A_153, %swap3A_154] : memref<4x8x128xf32, #tpu.memory_space<vmem>>, vector<1x8x128xf32>
    %swap3A_156 = vector.shape_cast %swap3A_155 : vector<1x8x128xf32> to vector<8x128xf32>
    %swap3A_157 = vector.shape_cast %cond3A_152#0 : vector<8x128xf32> to vector<1x8x128xf32>
    tpu.vector_store %arg5[%swap3A, %swap3A_153, %swap3A_154], %swap3A_157 {strides = array<i32>} : memref<4x8x128xf32, #tpu.memory_space<vmem>>, vector<1x8x128xf32>,
    %swap3A_158 = arith.constant 1 : index
    %swap3A_159 = arith.constant 0 : index
    %swap3A_160 = arith.constant 0 : index
    %swap3A_161 = vector.load %arg5[%swap3A_158, %swap3A_159, %swap3A_160] : memref<4x8x128xf32, #tpu.memory_space<vmem>>, vector<1x8x128xf32>
    %swap3A_162 = vector.shape_cast %swap3A_161 : vector<1x8x128xf32> to vector<8x128xf32>
    %swap3A_163 = vector.shape_cast %cond3A_152#1 : vector<8x128xf32> to vector<1x8x128xf32>
    tpu.vector_store %arg5[%swap3A_158, %swap3A_159, %swap3A_160], %swap3A_163 {strides = array<i32>} : memref<4x8x128xf32, #tpu.memory_space<vmem>>, vector<1x8x128xf32>,
    %swap3A_164 = arith.constant 2 : index
    %swap3A_165 = arith.constant 0 : index
    %swap3A_166 = arith.constant 0 : index
    %swap3A_167 = vector.load %arg5[%swap3A_164, %swap3A_165, %swap3A_166] : memref<4x8x128xf32, #tpu.memory_space<vmem>>, vector<1x8x128xf32>
    %swap3A_168 = vector.shape_cast %swap3A_167 : vector<1x8x128xf32> to vector<8x128xf32>
    %swap3A_169 = vector.shape_cast %cond3A_152#2 : vector<8x128xf32> to vector<1x8x128xf32>
    tpu.vector_store %arg5[%swap3A_164, %swap3A_165, %swap3A_166], %swap3A_169 {strides = array<i32>} : memref<4x8x128xf32, #tpu.memory_space<vmem>>, vector<1x8x128xf32>,
    %swap3A_170 = arith.constant 3 : index
    %swap3A_171 = arith.constant 0 : index
    %swap3A_172 = arith.constant 0 : index
    %swap3A_173 = vector.load %arg5[%swap3A_170, %swap3A_171, %swap3A_172] : memref<4x8x128xf32, #tpu.memory_space<vmem>>, vector<1x8x128xf32>
    %swap3A_174 = vector.shape_cast %swap3A_173 : vector<1x8x128xf32> to vector<8x128xf32>
    %swap3A_175 = vector.shape_cast %cond3A_152#3 : vector<8x128xf32> to vector<1x8x128xf32>
    tpu.vector_store %arg5[%swap3A_170, %swap3A_171, %swap3A_172], %swap3A_175 {strides = array<i32>} : memref<4x8x128xf32, #tpu.memory_space<vmem>>, vector<1x8x128xf32>,
    %swap3A_176 = arith.constant 0 : index
    %swap3A_177 = arith.constant 0 : index
    %swap3A_178 = vector.load %arg6[%swap3A_176, %swap3A_177] : memref<8x128xf32, #tpu.memory_space<vmem>>, vector<8x128xf32>
    tpu.vector_store %arg6[%swap3A_176, %swap3A_177], %cond3A_152#4 {strides = array<i32>} : memref<8x128xf32, #tpu.memory_space<vmem>>, vector<8x128xf32>,
    %swap3A_179 = arith.constant 0 : index
    %swap3A_180 = arith.constant 0 : index
    %swap3A_181 = vector.load %arg7[%swap3A_179, %swap3A_180] : memref<8x128xf32, #tpu.memory_space<vmem>>, vector<8x128xf32>
    tpu.vector_store %arg7[%swap3A_179, %swap3A_180], %cond3A_152#5 {strides = array<i32>} : memref<8x128xf32, #tpu.memory_space<vmem>>, vector<8x128xf32>,
    %swap3A_182 = arith.constant 0 : index
    %swap3A_183 = arith.constant 0 : index
    %swap3A_184 = vector.load %arg8[%swap3A_182, %swap3A_183] : memref<8x128xf32, #tpu.memory_space<vmem>>, vector<8x128xf32>
    tpu.vector_store %arg8[%swap3A_182, %swap3A_183], %cond3A_152#6 {strides = array<i32>} : memref<8x128xf32, #tpu.memory_space<vmem>>, vector<8x128xf32>,
    %ge3A_185 = arith.constant 0.000000e+00 : f32
    %ge3A_186 = vector.broadcast %ge3A_185 : f32 to vector<8x128xf32>
    %ge3A_187 = arith.cmpf oge, %cond3A_152#6, %ge3A_186 : vector<8x128xf32>
    %convert_element_type3A_188 = arith.extui %ge3A_187 : vector<8x128xi1> to vector<8x128xi32>
    %reduce_sum3A_189 = arith.constant dense<0> : vector<8xi32>
    %reduce_sum3A_190 = vector.multi_reduction <add>, %convert_element_type3A_188, %reduce_sum3A_189 [1] : vector<8x128xi32> to vector<8xi32>
    %broadcast_in_dim3A_191 = vector.shape_cast %reduce_sum3A_190 : vector<8xi32> to vector<8x1xi32>
    %swap3A_192 = arith.constant 0 : index
    %swap3A_193 = arith.constant 0 : index
    %swap3A_194 = vector.load %arg9[%swap3A_192, %swap3A_193] : memref<8x1xi32, #tpu.memory_space<vmem>>, vector<8x1xi32>
    tpu.vector_store %arg9[%swap3A_192, %swap3A_193], %broadcast_in_dim3A_191 {strides = array<i32>} : memref<8x1xi32, #tpu.memory_space<vmem>>, vector<8x1xi32>,
    return
  }
}

</mosaic_0001>

<sc_bundles>
// kernel: kernel.5.cloned.1.call-start
scs
__scs_entry_jumppad:
0x0: {  	(pc) =	sbr.rel $0x88, $3  }
0x1: {  	(tag) =	ssettag $0x0;
	lr =	simm.s32 $0x1  }
0x2: {  	[smem:$0x3F9E] =	sst lr;
	_ =	strace $0xD0000000  }
0x3: {  	_ = 	snop  }
0x4: {  	_ = 	snop  }
0x5: {  	_ = 	snop  }
0x6: {  	_ = 	snop  }
0x7: {  	_ = 	snop  }
__scs_overlays_trampoline_lowered:
0x8: {  	[smem:$0x3FAD] =	sst s0  }
0x9: {  	[smem:$0x3FAE] =	sst s1  }
0xa: {  	[smem:$0x3FAF] =	sst s2  }
0xb: {  	[smem:$0x3FB0] =	sst s3  }
0xc: {  	[smem:$0x3FB1] =	sst s4  }
0xd: {  	[smem:$0x3FB2] =	sst s5  }
0xe: {  	[smem:$0x3FB3] =	sst s6  }
0xf: {  	[smem:$0x3FB4] =	sst s7  }
0x10: {  	[smem:$0x3FB5] =	sst s8  }
0x11: {  	[smem:$0x3FB6] =	sst s9;
	s0 =	simm.s32 @!p0 $0x0  }
0x12: {  	s1 =	sld [smem:$0x3F9C];
	s0 =	simm.s32 @p0 $0x1  }
0x13: {  	[smem:$0x3FB7] =	sst s0;
	s0 =	simm.s32 @!p1 $0x0  }
0x14: {  	s2 =	sld [smem:$0x3F9B];
	s0 =	simm.s32 @p1 $0x1  }
0x15: {  	[smem:$0x3FB8] =	sst s0;
	s0 =	simm.s32 @!p2 $0x0  }
0x16: {  	s3 =	sld [smem:$0x3FDB];
	s0 =	simm.s32 @p2 $0x1  }
0x17: {  	s4 =	simm.s32 $0x1BF5;
	[smem:$0x3FBA] =	sst s0  }
0x18: {  	s0 =	sld [smem:$0x3F9D];
	_ =	swait.ge [sflag:s4], $0x0  }
0x19: {  	s7 =	sld [smem:$0x3F9E]  }
0x1a: {  	s8 =	sadd.s32 $0xFFFFE003, lr  }
0x1b: {  	s9 =	sadd.s32 $0xFFFFFEF7, lr;
	s5 =	simm.s32 $0xFFFFFFFF;
	p2 =	slt.u32 s8, $0xFFFFF086  }
0x1c: {  	p1 =	slt.u32 s9, $0xF7A;
	s5 =	simm.s32 @!p2 $0x0  }
0x1d: {  	s5 =	simm.s32 @p1 $0x1;
	p0 =	seq.s32 s7, s2  }
0x1e: {  	s7 =	smul.u32 @!p0 $0xF7A, s2;
	p2 =	seq.s32 @!p0 s5, $0x0  }
0x1f: {  	s9 =	smul.u32 $0xF7A, s1;
	s8 =	simm.s32 @!p0 $0x1BF5;
	p2 =	por !p2, p0  }
0x20: {  	[sflag:s8] =	ssyncset.s32 @!p0 $0xFFFFF086;
	s6 =	sadd.s32 @!p0 s3, s7;
	s7 =	simm.s32 @!p0 $0x108  }
0x21: {  	s3 =	sadd.s32 s3, s9;
	s6 =	sadd.s32 @!p0 $0x88, s6;
	s7 =	simm.s32 @p2 $0x1082  }
0x22: {  	[simem:s7], [sflag:s8] =	dma.local @!p0 [hbm:s6], $0xF7A  }
0x23: {  	s9 =	sor.u32 $0xD0000000, s2;
	s6 =	simm.s32 $0x108;
	_ =	swait.ge @!p0 [sflag:s8], $0x0  }
0x24: {  	s3 =	sadd.s32 $0x88, s3;
	s6 =	simm.s32 @!p1 $0x1082;
	[sflag:s4] =	ssyncset.s32 $0xFFFFF086  }
0x25: {  	[simem:s6], [sflag:s4] =	dma.local [hbm:s3], $0xF7A  }
0x26: {  	[smem:$0x3F9E] =	sst s1;
	(tag) =	ssettag s2;
	_ =	strace s9  }
0x27: {  	s1 =	sld [smem:$0x3FAE]  }
0x28: {  	s2 =	sld [smem:$0x3FAF]  }
0x29: {  	s4 =	sld [smem:$0x3FB1]  }
0x2a: {  	p0 =	seq.s32 s5, $0x0;
	s5 =	sld [smem:$0x3FB2]  }
0x2b: {  	s6 =	sld [smem:$0x3FB3]  }
0x2c: {  	s7 =	sld [smem:$0x3FB4]  }
0x2d: {  	s3 =	simm.s32 $0x108;
	s8 =	sld [smem:$0x3FB5]  }
0x2e: {  	s3 =	simm.s32 @!p0 $0x1082;
	s9 =	sld [smem:$0x3FB6]  }
0x2f: {  	lr =	sadd.s32 s0, s3;
	s0 =	sld [smem:$0x3FAD]  }
0x30: {  	s3 =	sld [smem:$0x3FB0]  }
0x31: {  	[smem:$0x3FB9] =	sst s10  }
0x32: {  	s10 =	sld [smem:$0x3FB7];
	_ =	sdelay $0x3  }
0x33: {  	p0 =	seq.s32 s10, $0x1;
	s10 =	sld [smem:$0x3FB9];
	_ =	sdelay $0x3  }
0x34: {  	[smem:$0x3FB9] =	sst s10  }
0x35: {  	s10 =	sld [smem:$0x3FB8];
	_ =	sdelay $0x3  }
0x36: {  	p1 =	seq.s32 s10, $0x1;
	s10 =	sld [smem:$0x3FB9];
	_ =	sdelay $0x3  }
0x37: {  	[smem:$0x3FB9] =	sst s10  }
0x38: {  	s10 =	sld [smem:$0x3FBA]  }
0x39: {  	_ = 	snop;
	(pc) =	sbr.ind lr, $3  }
0x3a: {  	_ = 	snop  }
0x3b: {  	_ = 	snop  }
0x3c: {  	p2 =	seq.s32 s10, $0x1;
	s10 =	sld [smem:$0x3FB9]  }
0x3d: {  	_ =	shalt  }
0x3e: {  	_ =	shalt  }
0x3f: {  	_ =	shalt  }
0x40: {  	_ =	shalt  }
0x41: {  	_ =	shalt  }
0x42: {  	_ =	shalt  }
0x43: {  	_ =	shalt  }
0x44: {  	_ =	shalt  }
0x45: {  	_ =	shalt  }
0x46: {  	_ =	shalt  }
0x47: {  	_ =	shalt  }
0x48: {  	_ =	shalt  }
0x49: {  	_ =	shalt  }
0x4a: {  	_ =	shalt  }
0x4b: {  	_ =	shalt  }
0x4c: {  	_ =	shalt  }
0x4d: {  	_ =	shalt  }
0x4e: {  	_ =	shalt  }
0x4f: {  	_ =	shalt  }
0x50: {  	_ =	shalt  }
0x51: {  	_ =	shalt  }
0x52: {  	_ =	shalt  }
0x53: {  	_ =	shalt  }
0x54: {  	_ =	shalt  }
0x55: {  	_ =	shalt  }
0x56: {  	_ =	shalt  }
0x57: {  	_ =	shalt  }
0x58: {  	_ =	shalt  }
0x59: {  	_ =	shalt  }
0x5a: {  	_ =	shalt  }
0x5b: {  	_ =	shalt  }
0x5c: {  	_ =	shalt  }
0x5d: {  	_ =	shalt  }
0x5e: {  	_ =	shalt  }
0x5f: {  	_ =	shalt  }
0x60: {  	_ =	shalt  }
0x61: {  	_ =	shalt  }
0x62: {  	_ =	shalt  }
0x63: {  	_ =	shalt  }
0x64: {  	_ =	shalt  }
0x65: {  	_ =	shalt  }
0x66: {  	_ =	shalt  }
0x67: {  	_ =	shalt  }
0x68: {  	_ =	shalt  }
0x69: {  	_ =	shalt  }
0x6a: {  	_ =	shalt  }
0x6b: {  	_ =	shalt  }
0x6c: {  	_ =	shalt  }
0x6d: {  	_ =	shalt  }
0x6e: {  	_ =	shalt  }
0x6f: {  	_ =	shalt  }
0x70: {  	_ =	shalt  }
0x71: {  	_ =	shalt  }
0x72: {  	_ =	shalt  }
0x73: {  	_ =	shalt  }
0x74: {  	_ =	shalt  }
0x75: {  	_ =	shalt  }
0x76: {  	_ =	shalt  }
0x77: {  	_ =	shalt  }
0x78: {  	_ =	shalt  }
0x79: {  	_ =	shalt  }
0x7a: {  	_ =	shalt  }
0x7b: {  	_ =	shalt  }
0x7c: {  	_ =	shalt  }
0x7d: {  	_ =	shalt  }
0x7e: {  	_ =	shalt  }
0x7f: {  	_ =	shalt  }
0x80: {  	_ =	shalt  }
0x81: {  	_ =	shalt  }
0x82: {  	_ =	shalt  }
0x83: {  	_ =	shalt  }
0x84: {  	_ =	shalt  }
0x85: {  	_ =	shalt  }
0x86: {  	_ =	shalt  }
0x87: {  	_ =	shalt  }
.Lfunc_end0:
.L_simem_size_0:
called_computation_lowered:
.L_overlay_start_0:
0x88: {  	s2 =	sld [smem:$0x3FD9]  }
0x89: {  	s3 =	sld [smem:$0x3FFE];
	_ =	sdelay $0x1  }
0x8a: {  	s1 =	srdreg.scid  }
0x8b: {  	s0 =	sand.u32 $0x1, s1  }
0x8c: {  	s14 =	sshll.u32 s0, $0xA;
	s2 =	sadd.s32 s3, s2  }
0x8d: {  	s2 =	sadd.s32 s2, s14  }
0x8e: {  	[smem:$0x3FC5] =	sst s2  }
0x8f: {  	_ = 	snop  }
0x90: {  	s2 =	sld [smem:$0x3FD0];
	_ =	sdelay $0x2  }
0x91: {  	s15 =	simm.s32 $0xA;
	s4 =	simm.s32 $0x10  }
0x92: {  	[smem:s4], [sflag:s15] =	dma.local [hbm:s2], $0x1  }
0x93: {  	_ =	swait.eq [sflag:s15], $0x1  }
0x94: {  	[sflag:s15] =	ssyncset.done $0x0  }
0x95: {  	[sflag:s15] =	ssyncadd.s32 $0xFFFFFFFF  }
0x96: {  	s16 =	sld [smem:$0x12];
	(tm) =	ssettm $0x1  }
0x97: {  	s17 =	sld [smem:$0x3FFB];
	_ =	sdelay $0x3  }
0x98: {  	_ =	strace s17  }
0x99: {  	s3 =	sld [smem:$0x3FFC];
	_ =	sdelay $0x3  }
0x9a: {  	_ =	strace s3  }
0x9b: {  	s3 =	sld [smem:$0x3FFD];
	_ =	sdelay $0x3  }
0x9c: {  	_ =	strace s3  }
0x9d: {  	_ =	strace $0x8FFFFFFF  }
0x9e: {  	s18 =	sld [smem:$0x3FDB];
	_ =	sdelay $0x1  }
0x9f: {  	s19 =	simm.s32 $_scs_section_size  }
0xa0: {  	s5 =	simm.s32 $_size__tile_overlayer_lowered;
	s6 =	simm.s32 $_tile_overlayer_lowered  }
0xa1: {  	s22 =	simm.s32 $0x1BFF;
	s21 =	sshll.u32 s6, $0x1;
	s3 =	sadd.s32 s19, s18  }
0xa2: {  	s7 =	simm.s32 $0x0;
	s20 =	sshll.u32 s5, $0x1;
	s5 =	sadd.s32 s21, s3  }
0xa3: {  	[timem:s7], [sflag:s22] =	dma.local [hbm:s5], s20  }
0xa4: {  	_ =	swait.ge [sflag:s22], s20  }
0xa5: {  	s4 =	ssub.s32 $0x0, s20;
	[sflag:s22] =	ssyncset.done $0x0  }
0xa6: {  	[sflag:s22] =	ssyncadd.s32 s4;
	_ =	sdelay $0x1  }
0xa7: {  	s23 =	simm.s32 $0x1B8B  }
0xa8: {  	_ =	swait.ge [sflag:s23], $0x1  }
0xa9: {  	[sflag:s23] =	ssyncset.done $0x0  }
0xaa: {  	s25 =	simm.s32 $0x1B8E;
	s24 =	sld [smem:$0x3FFE];
	[sflag:s23] =	ssyncadd.s32 $0xFFFFFFFF  }
0xab: {  	s26 =	simm.s32 $execute0_lowered;
	[smem:$0x3FD2] =	sst s25  }
0xac: {  	s5 =	sshll.u32 s26, $0x1;
	_ =	strace $0x80000046;
	[dreg:$0x1] =	wrdreg $0xFFFFFFFF  }
0xad: {  	s28 =	simm.s32 $_size_execute0_lowered;
	s3 =	sadd.s32 s3, s5;
	[dreg:$0x0] =	wrdreg $0x0  }
0xae: {  	s5 =	sshll.u32 s28, $0x1;
	[dreg:$0x2] =	wrdreg s3  }
0xaf: {  	[dreg:$0x3] =	wrdreg s5  }
0xb0: {  	[dreg:$0x4] =	wrdreg $0xC0  }
0xb1: {  	_ =	task [dreg:s7], $0x5FFFF  }
0xb2: {  	[dreg:$0x1] =	wrdreg $0xFFFFFFFF  }
0xb3: {  	[dreg:$0x0] =	wrdreg $0x60  }
0xb4: {  	[dreg:$0x2] =	wrdreg s24  }
0xb5: {  	[dreg:$0x3] =	wrdreg s16  }
0xb6: {  	[dreg:$0x4] =	wrdreg $0x9  }
0xb7: {  	_ =	task.clear_ibuf [dreg:s7], $0x5FFFF;
	_ =	strace $0x90000046  }
0xb8: {  	s29 =	simm.s32 $0x9;
	_ =	strace $0x80000048  }
0xb9: {  	_ =	swait.ge [sflag:s29], $0x1  }
0xba: {  	[sflag:s29] =	ssyncadd.s32 $0xFFFFFFFF  }
0xbb: {  	_ =	strace $0x90000048  }
0xbc: {  	_ =	sfence  }
0xbd: {  	s30 =	sld [smem:$0x0];
	_ =	sdelay $0x2  }
0xbe: {  	s31 =	sshll.u32 s1, $0xD;
	s1 =	sshrl.u32 s1, $0x2  }
0xbf: {  	s3 =	sand.u32 $0x4000, s31;
	s1 =	sadd.s32 s1, s30  }
0xc0: {  	s0 =	sor.u32 s3, s0;
	s1 =	sshll.u32 s1, $0x11  }
0xc1: {  	s0 =	sor.u32 s1, s0  }
0xc2: {  	s0 =	sadd.s32 $0x8F2B, s0  }
0xc3: {  	[sflag:s0] =	ssyncadd.remote.s32 $0x1  }
0xc4: {  	_ =	sfence.sel $0xFFFF  }
0xc5: {  	[dreg:$0x0] =	wrdreg $0xFFFFFFFF;
	(pc) =	sbr.abs _section_cstart, $3  }
0xc6: {  	[dreg:$0x1] =	wrdreg $0xFFFFFFFF  }
0xc7: {  	_ =	task.clear_ibuf [dreg:s7], $0x2FFFF;
	_ =	strace $0x9FFFFFFF  }
0xc8: {  	(tm) =	ssettm $0x7FFFFFFF  }
0xc9: {  	_ =	shalt  }
tec
execute0_lowered:
.L_overlay_start_1:
0x0: {  	(tag) =	ssettag $0x1  }
0x1: {  	s0 =	srdreg.scid;
	s4 =	rddreg [dreg:$0x0]  }
0x2: {  	s3 =	stileid.u32;
	s23 =	rddreg [dreg:$0x1];
	s19 =	simm.s32 $0x1  }
0x3: {  	s28 =	simm.s32 $0x2800;
	s29 =	simm.s32 $0x2D00;
	s30 =	simm.s32 $0x3200  }
0x4: {  	s31 =	simm.s32 $0x3700;
	s20 =	simm.s32 $0x0;
	s0 =	sand.u32 $0x1, s0  }
0x5: {  	s2 =	sshrl.u32 s3, $0x2;
	s9 =	sand.u32 $0x3, s3;
	s3 =	simm.s32 $0x0  }
0x6: {  	s1 =	sshll.u32 s0, $0x2;
	s24 =	smul.u32 $0x4F0, s9;
	[smem:$0x7FF] =	sst s3  }
0x7: {  	s7 =	smul.u32 $0xA0, s9;
	s0 =	ssub.s32 $0x2, s0;
	s1 =	sor.u32 s2, s1  }
0x8: {  	s11 =	sshll.u32 s9, $0x1;
	_ =	strace $0x80000047;
	s5 =	smul.u32 $0x13C0, s1  }
0x9: {  	s25 =	sshrl.u32 s0, $0x1;
	s2 =	sadd.s32 s23, s11;
	s6 =	smul.u32 $0x280, s1  }
0xa: {  	s0 =	ssub.s32 s0, s25;
	s1 =	sshll.u32 s1, $0x3;
	s5 =	sadd.s32 s24, s5  }
0xb: {  	s25 =	simm.s32 $0x1E00;
	s6 =	sadd.s32 s7, s6;
	s5 =	sshrl.u32 s5, $0x3  }
0xc: {  	s18 =	smax.u32 s0, $0x1;
	s6 =	sshrl.u32 s6, $0x3;
	s10 =	sadd.s32 s5, s4  }
0xd: {  	s17 =	sadd.s32 s6, s4;
	s26 =	sadd.s32 $0x1E00, s10;
	s5 =	sadd.s32 $0x3200, s10  }
0xe: {  	s6 =	sadd.s32 $0x45C0, s10;
	s7 =	sadd.s32 $0x5980, s10;
	s8 =	sadd.s32 $0x6D40, s10  }
0xf: {  	s9 =	sadd.s32 $0xA00, s10;
	s10 =	sadd.s32 s1, s2;
	s11 =	sadd.s32 $0x8200, s17  }
0x10: {  	s12 =	sadd.s32 $0x8480, s17;
	s13 =	sadd.s32 $0x8700, s17;
	s14 =	sadd.s32 $0x8980, s17  }
0x11: {  	v0 =	vimm.s32 $0x0;
	s15 =	sadd.s32 $0x8C00, s17;
	s16 =	sadd.s32 $0x8E80, s17;
	s17 =	sadd.s32 $0x9100, s17  }
0x12: {  	v1 =	vlaneseq.u32;
	vm0 =	vcmask $0x300;
	vm1 =	vcmask $0x704;
	s1 =	simm.s32 $0x3C00;
	[dreg:$0x3] =	wrdreg s26;
	s26 =	simm.s32 $0x2300  }
.LBB2_1:
0x13: {  	s0 =	rddreg [dreg:$0x3]  }
0x14: {  	[tilespmem:s3], [sflag:$0x1] =	stream.linear.gather [hbm4b:s0+s3], $0x4F0, $0x38;
	[tilespmem:$0x4180] =	vst v63  }
0x15: {  	_ =	swait.ge [sflag:s19], $0x4F0  }
0x16: {  	[sflag:s19] =	ssyncset.done $0x0  }
0x17: {  	s21 =	simm.s32 $0x500;
	[sflag:s19] =	ssyncadd.s32 $0xFFFFFB10  }
0x18: {  	[tilespmem:s21], [sflag:$0x1] =	stream.linear.gather [hbm4b:s5+s3], $0x4F0, $0x38;
	[tilespmem:$0x4180] =	vst v63  }
0x19: {  	_ =	swait.ge [sflag:s19], $0x4F0  }
0x1a: {  	[sflag:s19] =	ssyncset.done $0x0  }
0x1b: {  	s22 =	simm.s32 $0xA00;
	[sflag:s19] =	ssyncadd.s32 $0xFFFFFB10  }
0x1c: {  	[tilespmem:s22], [sflag:$0x1] =	stream.linear.gather [hbm4b:s6+s3], $0x4F0, $0x38;
	[tilespmem:$0x4180] =	vst v63  }
0x1d: {  	_ =	swait.ge [sflag:s19], $0x4F0  }
0x1e: {  	[sflag:s19] =	ssyncset.done $0x0  }
0x1f: {  	s23 =	simm.s32 $0xF00;
	[sflag:s19] =	ssyncadd.s32 $0xFFFFFB10  }
0x20: {  	[tilespmem:s23], [sflag:$0x1] =	stream.linear.gather [hbm4b:s7+s3], $0x4F0, $0x38;
	[tilespmem:$0x4180] =	vst v63  }
0x21: {  	_ =	swait.ge [sflag:s19], $0x4F0  }
0x22: {  	[sflag:s19] =	ssyncset.done $0x0  }
0x23: {  	s2 =	simm.s32 $0x1400;
	[sflag:s19] =	ssyncadd.s32 $0xFFFFFB10  }
0x24: {  	[tilespmem:s2], [sflag:$0x1] =	stream.linear.gather [hbm4b:s8+s3], $0x4F0, $0x38;
	[tilespmem:$0x4180] =	vst v63  }
0x25: {  	_ =	swait.ge [sflag:s19], $0x4F0  }
0x26: {  	[sflag:s19] =	ssyncset.done $0x0  }
0x27: {  	s4 =	simm.s32 $0x1900;
	[sflag:s19] =	ssyncadd.s32 $0xFFFFFB10  }
0x28: {  	[tilespmem:s4], [sflag:$0x1] =	stream.linear.gather [hbm4b:s9+s3], $0x4F0, $0x38;
	[tilespmem:$0x4180] =	vst v63  }
0x29: {  	_ =	swait.ge [sflag:s19], $0x4F0  }
0x2a: {  	[sflag:s19] =	ssyncset.done $0x0  }
0x2b: {  	s21 =	simm.s32 $0x0;
	[sflag:s19] =	ssyncadd.s32 $0xFFFFFB10  }
0x2c: {  	v2 =	vld [tilespmem:s21+$0x0];
	_ =	sdelay $0x4  }
0x2d: {  	vm2 =	vge.f32 v2, $9.990000120e-01  }
0x2e: {  	v3 =	vsel vm2, $0x1, v0  }
0x2f: {  	(xrf0) =	vadd.scan.msk.s32 $0xffff, v3;
	_ =	sdelay $0x2  }
0x30: {  	v3 =	vmov s3  }
0x31: {  	v3 =	vadd.s32 $0xFFFFFFFF, v3  }
0x32: {  	v3 =	vbroadcast v3, $0x0  }
0x33: {  	v4, _, _ =	vpop (xrf0)  }
0x34: {  	v3 =	vadd.s32 v4, v3;
	_ =	sdelay $0x1  }
0x35: {  	v5 =	vor.u32 s24, v1  }
0x36: {  	v5 =	vcvt.s32.f32 v5;
	_ =	sdelay $0x1  }
0x37: {  	[tilespmem:v3+s25+$0x0] =	vst.idx.msk vm2, v5  }
0x38: {  	v5 =	vld [tilespmem:s21+$0x500];
	_ =	sdelay $0x3  }
0x39: {  	vm3 =	vge.f32 v2, $2.500000000e-01  }
0x3a: {  	v59 =	vsel vm3, $0x1, v0;
	[tilespmem:v3+s26+$0x0] =	vst.idx.msk vm2, v5  }
0x3b: {  	(xrf0) =	vadd.scan.msk.s32 $0xffff, v59;
	v4 =	vxor.u32 $0x80000000, v4;
	v60 =	vld [tilespmem:s21+$0xA00]  }
0x3c: {  	(xrf0) =	vmax.scan.msk.u32 $0xffff, v4;
	_ =	sdelay $0x3  }
0x3d: {  	[tilespmem:v3+s28+$0x0] =	vst.idx.msk vm2, v60  }
0x3e: {  	v61, _, _ =	vpop (xrf0);
	v5 =	vld [tilespmem:s21+$0xF00]  }
0x3f: {  	(v2sf) =	vpush v61, $0xF;
	v62, _, _ =	vpop (xrf0)  }
0x40: {  	(v2sf) =	vpush v62, $0xF;
	_ =	sdelay $0x2  }
0x41: {  	[tilespmem:v3+s29+$0x0] =	vst.idx.msk vm2, v5  }
0x42: {  	v63 =	vld [tilespmem:s21+$0x1400];
	_ =	sdelay $0x4  }
0x43: {  	[tilespmem:v3+s30+$0x0] =	vst.idx.msk vm2, v63  }
0x44: {  	[tilespmem:v3+s31+$0x0] =	vst.idx.msk vm2, v2  }
0x45: {  	v2 =	vld [tilespmem:s21+$0x1900];
	_ =	sdelay $0x2  }
0x46: {  	s22 =	spop (v2sf)  }
0x47: {  	s2 =	spop (v2sf)  }
0x48: {  	s0 =	simm.s32 $0x80;
	s23 =	simm.s32 $0x10;
	s2 =	sadd.s32 $0x0, s2;
	[tilespmem:v3+s1+$0x0] =	vst.idx.msk vm2, v2  }
0x49: {  	s21 =	sadd.s32 $0x0, s22;
	s22 =	sadd.s32 $0x80000000, s2;
	s2 =	smov.u32 s24;
	v2 =	vld [tilespmem:s23+$0x0]  }
.LBB2_2:
0x4a: {  	p0 =	sne.s32 s0, $0x1380;
	_ =	sdelay $0x3  }
0x4b: {  	vm2 =	vge.f32 v2, $9.990000120e-01;
	vm3 =	vge.f32 v2, $2.500000000e-01  }
0x4c: {  	v3 =	vsel vm3, $0x1, v0;
	v4 =	vsel vm2, $0x1, v0  }
0x4d: {  	(xrf0) =	vadd.scan.msk.s32 $0xffff, v4  }
0x4e: {  	(xrf0) =	vadd.scan.msk.s32 $0xffff, v3;
	_ =	sdelay $0x1  }
0x4f: {  	v3 =	vmov s22  }
0x50: {  	v3 =	vadd.s32 $0xFFFFFFFF, v3  }
0x51: {  	v3 =	vbroadcast v3, $0x0  }
0x52: {  	v4, _, _ =	vpop (xrf0)  }
0x53: {  	v3 =	vadd.s32 v4, v3;
	v4 =	vxor.u32 $0x80000000, v4;
	v5, _, _ =	vpop (xrf0)  }
0x54: {  	s2 =	sadd.s32 $0x10, s2;
	(v2sf) =	vpush v5, $0xF;
	(xrf0) =	vmax.scan.msk.u32 $0xffff, v4  }
0x55: {  	v4 =	vor.u32 s2, v1  }
0x56: {  	v4 =	vcvt.s32.f32 v4;
	_ =	sdelay $0x1  }
0x57: {  	[tilespmem:v3+s25+$0x0] =	vst.idx.msk vm2, v4  }
0x58: {  	v4 =	vld [tilespmem:s23+$0x500]  }
0x59: {  	v5, _, _ =	vpop (xrf0)  }
0x5a: {  	(v2sf) =	vpush v5, $0xF;
	_ =	sdelay $0x2  }
0x5b: {  	[tilespmem:v3+s26+$0x0] =	vst.idx.msk vm2, v4  }
0x5c: {  	v4 =	vld [tilespmem:s23+$0xA00];
	_ =	sdelay $0x3  }
0x5d: {  	s4 =	spop (v2sf)  }
0x5e: {  	s21 =	sadd.s32 s21, s4;
	[tilespmem:v3+s28+$0x0] =	vst.idx.msk vm2, v4  }
0x5f: {  	v4 =	vld [tilespmem:s23+$0xF00];
	_ =	sdelay $0x4  }
0x60: {  	[tilespmem:v3+s29+$0x0] =	vst.idx.msk vm2, v4;
	s4 =	spop (v2sf)  }
0x61: {  	v4 =	vld [tilespmem:s23+$0x1400];
	s4 =	sadd.s32 s4, s22  }
0x62: {  	s22 =	sadd.s32 $0x80000000, s4;
	_ =	sdelay $0x3  }
0x63: {  	[tilespmem:v3+s30+$0x0] =	vst.idx.msk vm2, v4  }
0x64: {  	[tilespmem:v3+s31+$0x0] =	vst.idx.msk vm2, v2  }
0x65: {  	v2 =	vld [tilespmem:s23+$0x1900];
	_ =	sdelay $0x1  }
.Ltmp0:
0x66: {  	(pc) =	sbr.rel @p0 .LBB2_2-.Ltmp0, $3  }
0x67: {  	_ =	sdelay $0x1  }
0x68: {  	s23 =	sshra.s32 s0, $0x2;
	[tilespmem:v3+s1+$0x0] =	vst.idx.msk vm2, v2  }
0x69: {  	s0 =	sadd.s32 $0x40, s0;
	v2 =	vld [tilespmem:s23+$0x0]  }
0x6a: {  	_ =	sdelay $0x3  }
0x6b: {  	vm2 =	vge.f32 v2, $9.990000120e-01  }
0x6c: {  	v3 =	vsel vm2, $0x1, v0  }
0x6d: {  	(xrf0) =	vadd.scan.msk.s32 $0xffff, v3;
	_ =	sdelay $0x2  }
0x6e: {  	v3 =	vmov s22  }
0x6f: {  	v3 =	vadd.s32 $0xFFFFFFFF, v3  }
0x70: {  	v3 =	vbroadcast v3, $0x0  }
0x71: {  	v4, _, _ =	vpop (xrf0)  }
0x72: {  	v3 =	vadd.s32 v4, v3  }
0x73: {  	s0 =	sadd.s32 $0x10, s2  }
0x74: {  	v5 =	vor.u32 s0, v1  }
0x75: {  	v5 =	vcvt.s32.f32 v5;
	_ =	sdelay $0x1  }
0x76: {  	[tilespmem:v3+s25+$0x0] =	vst.idx.msk vm2, v5  }
0x77: {  	vm3 =	vge.f32 v2, $2.500000000e-01;
	v5 =	vld [tilespmem:s23+$0x500]  }
0x78: {  	v6 =	vsel vm3, $0x1, v0  }
0x79: {  	(xrf0) =	vadd.scan.msk.s32 $0xffff, v6;
	v4 =	vxor.u32 $0x80000000, v4  }
0x7a: {  	(xrf0) =	vmax.scan.msk.u32 $0xffff, v4;
	_ =	sdelay $0x1  }
0x7b: {  	[tilespmem:v3+s26+$0x0] =	vst.idx.msk vm2, v5  }
0x7c: {  	v60 =	vld [tilespmem:s23+$0xA00];
	_ =	sdelay $0x1  }
0x7d: {  	v61, _, _ =	vpop (xrf0)  }
0x7e: {  	(v2sf) =	vpush v61, $0xF;
	v62, _, _ =	vpop (xrf0)  }
0x7f: {  	(v2sf) =	vpush v62, $0xF  }
0x80: {  	[tilespmem:v3+s28+$0x0] =	vst.idx.msk vm2, v60  }
0x81: {  	v4 =	vld [tilespmem:s23+$0xF00];
	_ =	sdelay $0x4  }
0x82: {  	[tilespmem:v3+s29+$0x0] =	vst.idx.msk vm2, v4  }
0x83: {  	v4 =	vld [tilespmem:s23+$0x1400];
	_ =	sdelay $0x4  }
0x84: {  	[tilespmem:v3+s30+$0x0] =	vst.idx.msk vm2, v4  }
0x85: {  	s0 =	spop (v2sf);
	[tilespmem:v3+s31+$0x0] =	vst.idx.msk vm2, v2  }
0x86: {  	s4 =	spop (v2sf);
	v2 =	vld [tilespmem:s23+$0x1900]  }
0x87: {  	s2 =	sadd.s32 s4, s22  }
0x88: {  	s2 =	sadd.s32 $0x80000000, s2  }
0x89: {  	v63 =	vmov s2  }
0x8a: {  	s0 =	sadd.s32 s21, s0;
	v4 =	vnsel vm0, $0x0, v63  }
0x8b: {  	[tilespmem:v3+s1+$0x0] =	vst.idx.msk vm2, v2;
	v2 =	vsel vm1, s0, v4  }
0x8c: {  	s23 =	simm.s32 $0x4100;
	[tilespmem:$0x4100] =	vst v2  }
0x8d: {  	[hbm4b:s10+s3] =	stream.linear.scatter [tilespmem:s23], [sflag:$0x1], $0x10, $0x38;
	[tilespmem:$0x4180] =	vst v63  }
0x8e: {  	_ =	swait.ge [sflag:s19], $0x10  }
0x8f: {  	[sflag:s19] =	ssyncset.done $0x0  }
0x90: {  	[sflag:s19] =	ssyncadd.s32 $0xFFFFFFF0  }
0x91: {  	[hbm4b:s11+s3] =	stream.linear.scatter [tilespmem:s25], [sflag:$0x1], $0xA0, $0x38;
	[tilespmem:$0x4180] =	vst v63  }
0x92: {  	_ =	swait.ge [sflag:s19], $0xA0  }
0x93: {  	[sflag:s19] =	ssyncset.done $0x0  }
0x94: {  	[sflag:s19] =	ssyncadd.s32 $0xFFFFFF60  }
0x95: {  	[hbm4b:s12+s3] =	stream.linear.scatter [tilespmem:s26], [sflag:$0x1], $0xA0, $0x38;
	[tilespmem:$0x4180] =	vst v63  }
0x96: {  	_ =	swait.ge [sflag:s19], $0xA0  }
0x97: {  	[sflag:s19] =	ssyncset.done $0x0  }
0x98: {  	[sflag:s19] =	ssyncadd.s32 $0xFFFFFF60  }
0x99: {  	[hbm4b:s13+s3] =	stream.linear.scatter [tilespmem:s28], [sflag:$0x1], $0xA0, $0x38;
	[tilespmem:$0x4180] =	vst v63  }
0x9a: {  	_ =	swait.ge [sflag:s19], $0xA0  }
0x9b: {  	[sflag:s19] =	ssyncset.done $0x0  }
0x9c: {  	[sflag:s19] =	ssyncadd.s32 $0xFFFFFF60  }
0x9d: {  	[hbm4b:s14+s3] =	stream.linear.scatter [tilespmem:s29], [sflag:$0x1], $0xA0, $0x38;
	[tilespmem:$0x4180] =	vst v63  }
0x9e: {  	_ =	swait.ge [sflag:s19], $0xA0  }
0x9f: {  	[sflag:s19] =	ssyncset.done $0x0  }
0xa0: {  	[sflag:s19] =	ssyncadd.s32 $0xFFFFFF60  }
0xa1: {  	[hbm4b:s15+s3] =	stream.linear.scatter [tilespmem:s30], [sflag:$0x1], $0xA0, $0x38;
	[tilespmem:$0x4180] =	vst v63  }
0xa2: {  	_ =	swait.ge [sflag:s19], $0xA0  }
0xa3: {  	[sflag:s19] =	ssyncset.done $0x0  }
0xa4: {  	[sflag:s19] =	ssyncadd.s32 $0xFFFFFF60  }
0xa5: {  	[hbm4b:s16+s3] =	stream.linear.scatter [tilespmem:s31], [sflag:$0x1], $0xA0, $0x38;
	[tilespmem:$0x4180] =	vst v63  }
0xa6: {  	s20 =	sadd.s32 $0x1, s20;
	_ =	swait.ge [sflag:s19], $0xA0  }
0xa7: {  	p0 =	sne.s32 s20, s18;
	[sflag:s19] =	ssyncset.done $0x0  }
.Ltmp1:
0xa8: {  	[sflag:s19] =	ssyncadd.s32 $0xFFFFFF60;
	(pc) =	sbr.rel @p0 .LBB2_1-.Ltmp1, $4  }
0xa9: {  	[hbm4b:s17+s3] =	stream.linear.scatter [tilespmem:s1], [sflag:$0x1], $0xA0, $0x38;
	[tilespmem:$0x4180] =	vst v63  }
0xaa: {  	_ =	swait.ge [sflag:s19], $0xA0  }
0xab: {  	[sflag:s19] =	ssyncset.done $0x0  }
0xac: {  	[sflag:s19] =	ssyncadd.s32 $0xFFFFFF60  }
0xad: {  	_ =	sfence.sel $0x180000  }
0xae: {  	[bflag:$0x0] =	sbarrier.arrive $0xFFFF  }
0xaf: {  	_ =	strace $0x90000047  }
0xb0: {  	s0 =	stileid.u32;
	[bflag:$0x2] =	sbarrier.arrive $0xFFFF  }
0xb1: {  	p0 =	sne.s32 s0, $0x0;
	s0 =	rddreg [dreg:$0x2]  }
0xb2: {  	s0 =	sadd.s32 @!p0 $0x100000, s0  }
0xb3: {  	[sflag:s0] =	ssyncadd.tile.s32 @!p0 $0x1;
	_ =	shalt  }
.Lfunc_end2:
_tile_overlayer_lowered:
.L_overlay_start_2:
0xb4: {  	(tag) =	ssettag $0x2  }
0xb5: {  	s0 =	rddreg [dreg:$0x0];
	s2 =	stileid.u32  }
0xb6: {  	s1 =	rddreg [dreg:$0x1];
	p0 =	sne.s32 s2, $0x0  }
0xb7: {  	s3 =	rddreg [dreg:$0x2];
	[bflag:$0x3] =	sbarrier.arrive $0xFFFF;
	s2 =	simm.s32 @!p0 $0x1C01  }
0xb8: {  	[timem:s3], [sflag:s2] =	dma.local @!p0 [hbm:s0], s1  }
0xb9: {  	s0 =	simm.s32 @!p0 $0x1  }
0xba: {  	_ =	swait.ge @!p0 [sflag:s0], s1  }
0xbb: {  	s1 =	ssub.s32 @!p0 $0x0, s1;
	[sflag:s0] =	ssyncset.done @!p0 $0x0  }
0xbc: {  	[sflag:s0] =	ssyncadd.s32 @!p0 s1  }
0xbd: {  	[bflag:$0x3] =	sbarrier.arrive $0xFFFF  }
0xbe: {  	_ =	shalt  }

</sc_bundles>
